<compile_context>
chip_gen: v7x
topology: tpu7x:2x2x1
jax: 0.10.2.dev20260603
libtpu: 0.0.44.dev20260713+nightly
codegen_flags: <defaults>
</compile_context>

<pallas_src>
import jax
import jax.numpy as jnp
from jax import lax
from jax.experimental import pallas as pl
from jax.experimental.pallas import tpu as pltpu
from jax.experimental.pallas import tpu_sc as plsc

BATCH = 4096
SEQ = 50
EMBED = 32
_info = plsc.get_sparse_core_info()
NC, NS = _info.num_cores, _info.num_subcores
NW = NC * NS
SPW = BATCH // NW
BS = 16
G = SPW // BS


def _body(idx_hbm, table_hbm, out_hbm, idx_v, rows_v, gsem):
    w = lax.axis_index("s") * NC + lax.axis_index("c")
    s0 = w * SPW
    pltpu.sync_copy(idx_hbm.at[pl.ds(s0, SPW)], idx_v)

    @pl.loop(0, G)
    def _group(g):
        descs = [
            pltpu.async_copy(
                table_hbm.at[idx_v.at[g * BS + j]],
                rows_v.at[j],
                gsem,
            )
            for j in range(BS)
        ]
        for d in descs:
            d.wait()
        pltpu.sync_copy(rows_v, out_hbm.at[pl.ds(s0 + g * BS, BS)])


@jax.jit
def _gather(idx, table):
    mesh = plsc.VectorSubcoreMesh(core_axis_name="c", subcore_axis_name="s")
    f = pl.kernel(
        _body,
        out_type=jax.ShapeDtypeStruct((BATCH, SEQ, EMBED), jnp.float32),
        mesh=mesh,
        scratch_types=[
            pltpu.VMEM((SPW, SEQ), jnp.int32),
            pltpu.VMEM((BS, SEQ, EMBED), jnp.float32),
            pltpu.SemaphoreType.DMA,
        ],
        compiler_params=pltpu.CompilerParams(use_tc_tiling_on_sc=False),
    )
    return f(idx, table)


def kernel(scentences, table):
    return _gather(scentences.astype(jnp.int32), table)

# --- scband reference (transcript-rebuilt; emitter-appended) ---
"""Pipeline reference for scband-lazy-embedding-28054726377575 (READ-ONLY COPY).

The authoritative reference and input builder live on the scoring server;
editing this copy changes nothing except your own understanding.
"""

import jax, jax.numpy as jnp
import numpy as np

MAX_WORDS = 1000000
EMBED_DIM = 32
BATCH = 4096
SEQ = 50

def setup_inputs(seed: int = 0) -> dict:
    key = jax.random.key(seed)
    k1, k2 = jax.random.split(key)
    # The original module lazily maps words -> integer ids, then pads and looks up.
    # We model the post-tokenization state: a padded id tensor of shape [B, L].
    indices = jax.random.randint(k1, (BATCH, SEQ), 0, MAX_WORDS, dtype=jnp.int64)
    table = jax.random.normal(k2, (MAX_WORDS + 1, EMBED_DIM), dtype=jnp.float32)
    return {"scentences": indices, "table": table}

def reference(scentences, table):
    # Faithful core computation: embedding lookup on padded id matrix.
    # (String tokenization / pack_sequence ordering is identity once ids are padded,
    #  since padded[np.argsort(len_ord)] restores the original batch order.)
    return jnp.take(table, scentences, axis=0)

if __name__ == "__main__":
    import jax
    _d = setup_inputs()
    print(jax.jit(kernel)(*tuple(_d.values())))

</pallas_src>

<mosaic_0001>
#map = affine_map<(d0, d1) -> (0, 0)>
#map1 = affine_map<(d0, d1) -> (0, 0, 0)>
module attributes {stable_mosaic.version = 14 : i64} {
  func.func @_body(%arg0: i32, %arg1: i32, %arg2: memref<4096x50xi32, #tpu.memory_space<hbm>>, %arg3: memref<1000001x32xf32, #tpu.memory_space<hbm>>, %arg4: memref<4096x50x32xf32, #tpu.memory_space<hbm>>, %arg5: memref<128x50xi32, #tpu.memory_space<vmem>>, %arg6: memref<16x50x32xf32, #tpu.memory_space<vmem>>, %arg7: memref<!tpu.dma_semaphore, #tpu.memory_space<semaphore_mem>>) attributes {dimension_semantics = [#tpu.dimension_semantics<core_parallel>, #tpu.dimension_semantics<subcore_parallel>], iteration_bounds = array<i64: 2, 16>, scalar_prefetch = 0 : i64, scratch_operands = 3 : i64, tpu.core_type = #tpu.core_type<sc_vector_subcore>, window_params = [{transform_indices = #map}, {transform_indices = #map}, {transform_indices = #map1}]} {
    %mul3A = arith.constant 2 : i32
    %mul3A_0 = arith.muli %arg1, %mul3A : i32
    %add3A = arith.addi %mul3A_0, %arg0 : i32
    %mul3A_1 = arith.constant 128 : i32
    %mul3A_2 = arith.muli %add3A, %mul3A_1 : i32
    "tpu.region"() ({
      %run_scoped3A = tpu.sem_alloc : memref<!tpu.dma_semaphore, #tpu.memory_space<semaphore_mem>>
      %dma_start3A = arith.constant 0 : i32
      %dma_start3A_7 = tpu.memref_slice %arg2[%mul3A_2, %dma_start3A] : memref<4096x50xi32, #tpu.memory_space<hbm>> -> memref<128x50xi32, #tpu.memory_space<hbm>>
      %dma_start3A_8 = arith.constant 0 : i32
      %dma_start3A_9 = tpu.memref_slice %arg2[%mul3A_2, %dma_start3A_8] : memref<4096x50xi32, #tpu.memory_space<hbm>> -> memref<128x50xi32, #tpu.memory_space<hbm>>
      tpu.enqueue_dma source(%dma_start3A_9 : memref<128x50xi32, #tpu.memory_space<hbm>>) target(%arg5 : memref<128x50xi32, #tpu.memory_space<vmem>>) target_semaphore(%run_scoped3A : memref<!tpu.dma_semaphore, #tpu.memory_space<semaphore_mem>>)
      %dma_wait3A = arith.constant 0 : i32
      %dma_wait3A_10 = tpu.memref_slice %arg2[%mul3A_2, %dma_wait3A] : memref<4096x50xi32, #tpu.memory_space<hbm>> -> memref<128x50xi32, #tpu.memory_space<hbm>>
      %dma_wait3A_11 = arith.constant 0 : i32
      %dma_wait3A_12 = tpu.memref_slice %arg2[%mul3A_2, %dma_wait3A_11] : memref<4096x50xi32, #tpu.memory_space<hbm>> -> memref<128x50xi32, #tpu.memory_space<hbm>>
      tpu.wait_dma2 semaphore(%run_scoped3A : memref<!tpu.dma_semaphore, #tpu.memory_space<semaphore_mem>>) src(%dma_wait3A_12 : memref<128x50xi32, #tpu.memory_space<hbm>>) dst(%arg5 : memref<128x50xi32, #tpu.memory_space<vmem>>)
      tpu.yield
    }) : () -> ()
    %scan3A = arith.constant 0 : i32
    %scan3A_3 = arith.constant 8 : i32
    %scan3A_4 = arith.addi %scan3A, %scan3A_3 : i32
    %scan3A_5 = arith.constant 1 : i32
    scf.for %scan3A_7 = %scan3A to %scan3A_4 step %scan3A_5  : i32 {
      %mul3A_8 = arith.constant 1 : i32
      %mul3A_9 = arith.muli %scan3A_7, %mul3A_8 : i32
      %add3A_10 = arith.constant 0 : i32
      %add3A_11 = arith.addi %add3A_10, %mul3A_9 : i32
      %mul3A_12 = arith.constant 16 : i32
      %mul3A_13 = arith.muli %add3A_11, %mul3A_12 : i32
      %add3A_14 = arith.constant 0 : i32
      %add3A_15 = arith.addi %mul3A_13, %add3A_14 : i32
      %dma_start3A = arith.constant 0 : i32
      %dma_start3A_16 = arith.constant 0 : i32
      %dma_start3A_17 = arith.constant 0 : i32
      %dma_start3A_18 = tpu.memref_slice %arg6[%dma_start3A, %dma_start3A_16, %dma_start3A_17] : memref<16x50x32xf32, #tpu.memory_space<vmem>> -> memref<1x50x32xf32, #tpu.memory_space<vmem>>
      %dma_start3A_19 = tpu.memref_squeeze %dma_start3A_18 : memref<1x50x32xf32, #tpu.memory_space<vmem>> -> memref<50x32xf32, #tpu.memory_space<vmem>>
      %dma_start3A_20 = arith.constant 0 : i32
      %dma_start3A_21 = tpu.memref_slice %arg5[%add3A_15, %dma_start3A_20] : memref<128x50xi32, #tpu.memory_space<vmem>> -> memref<1x50xi32, #tpu.memory_space<vmem>>
      %dma_start3A_22 = tpu.memref_squeeze %dma_start3A_21 : memref<1x50xi32, #tpu.memory_space<vmem>> -> memref<50xi32, #tpu.memory_space<vmem>>
      %dma_start3A_23 = arith.constant 0 : i32
      %dma_start3A_24 = arith.constant 0 : i32
      %dma_start3A_25 = tpu.memref_slice %arg3[%dma_start3A_23, %dma_start3A_24] : memref<1000001x32xf32, #tpu.memory_space<hbm>> -> memref<1000001x32xf32, #tpu.memory_space<hbm>>
      tpu.enqueue_indirect_dma source(%dma_start3A_25 : memref<1000001x32xf32, #tpu.memory_space<hbm>>) target(%dma_start3A_19 : memref<50x32xf32, #tpu.memory_space<vmem>>) offsets(%dma_start3A_22 : memref<50xi32, #tpu.memory_space<vmem>>) semaphore(%arg7 : memref<!tpu.dma_semaphore, #tpu.memory_space<semaphore_mem>>)
      %mul3A_26 = arith.constant 16 : i32
      %mul3A_27 = arith.muli %add3A_11, %mul3A_26 : i32
      %add3A_28 = arith.constant 1 : i32
      %add3A_29 = arith.addi %mul3A_27, %add3A_28 : i32
      %dma_start3A_30 = arith.constant 1 : i32
      %dma_start3A_31 = arith.constant 0 : i32
      %dma_start3A_32 = arith.constant 0 : i32
      %dma_start3A_33 = tpu.memref_slice %arg6[%dma_start3A_30, %dma_start3A_31, %dma_start3A_32] : memref<16x50x32xf32, #tpu.memory_space<vmem>> -> memref<1x50x32xf32, #tpu.memory_space<vmem>>
      %dma_start3A_34 = tpu.memref_squeeze %dma_start3A_33 : memref<1x50x32xf32, #tpu.memory_space<vmem>> -> memref<50x32xf32, #tpu.memory_space<vmem>>
      %dma_start3A_35 = arith.constant 0 : i32
      %dma_start3A_36 = tpu.memref_slice %arg5[%add3A_29, %dma_start3A_35] : memref<128x50xi32, #tpu.memory_space<vmem>> -> memref<1x50xi32, #tpu.memory_space<vmem>>
      %dma_start3A_37 = tpu.memref_squeeze %dma_start3A_36 : memref<1x50xi32, #tpu.memory_space<vmem>> -> memref<50xi32, #tpu.memory_space<vmem>>
      %dma_start3A_38 = arith.constant 0 : i32
      %dma_start3A_39 = arith.constant 0 : i32
      %dma_start3A_40 = tpu.memref_slice %arg3[%dma_start3A_38, %dma_start3A_39] : memref<1000001x32xf32, #tpu.memory_space<hbm>> -> memref<1000001x32xf32, #tpu.memory_space<hbm>>
      tpu.enqueue_indirect_dma source(%dma_start3A_40 : memref<1000001x32xf32, #tpu.memory_space<hbm>>) target(%dma_start3A_34 : memref<50x32xf32, #tpu.memory_space<vmem>>) offsets(%dma_start3A_37 : memref<50xi32, #tpu.memory_space<vmem>>) semaphore(%arg7 : memref<!tpu.dma_semaphore, #tpu.memory_space<semaphore_mem>>)
      %mul3A_41 = arith.constant 16 : i32
      %mul3A_42 = arith.muli %add3A_11, %mul3A_41 : i32
      %add3A_43 = arith.constant 2 : i32
      %add3A_44 = arith.addi %mul3A_42, %add3A_43 : i32
      %dma_start3A_45 = arith.constant 2 : i32
      %dma_start3A_46 = arith.constant 0 : i32
      %dma_start3A_47 = arith.constant 0 : i32
      %dma_start3A_48 = tpu.memref_slice %arg6[%dma_start3A_45, %dma_start3A_46, %dma_start3A_47] : memref<16x50x32xf32, #tpu.memory_space<vmem>> -> memref<1x50x32xf32, #tpu.memory_space<vmem>>
      %dma_start3A_49 = tpu.memref_squeeze %dma_start3A_48 : memref<1x50x32xf32, #tpu.memory_space<vmem>> -> memref<50x32xf32, #tpu.memory_space<vmem>>
      %dma_start3A_50 = arith.constant 0 : i32
      %dma_start3A_51 = tpu.memref_slice %arg5[%add3A_44, %dma_start3A_50] : memref<128x50xi32, #tpu.memory_space<vmem>> -> memref<1x50xi32, #tpu.memory_space<vmem>>
      %dma_start3A_52 = tpu.memref_squeeze %dma_start3A_51 : memref<1x50xi32, #tpu.memory_space<vmem>> -> memref<50xi32, #tpu.memory_space<vmem>>
      %dma_start3A_53 = arith.constant 0 : i32
      %dma_start3A_54 = arith.constant 0 : i32
      %dma_start3A_55 = tpu.memref_slice %arg3[%dma_start3A_53, %dma_start3A_54] : memref<1000001x32xf32, #tpu.memory_space<hbm>> -> memref<1000001x32xf32, #tpu.memory_space<hbm>>
      tpu.enqueue_indirect_dma source(%dma_start3A_55 : memref<1000001x32xf32, #tpu.memory_space<hbm>>) target(%dma_start3A_49 : memref<50x32xf32, #tpu.memory_space<vmem>>) offsets(%dma_start3A_52 : memref<50xi32, #tpu.memory_space<vmem>>) semaphore(%arg7 : memref<!tpu.dma_semaphore, #tpu.memory_space<semaphore_mem>>)
      %mul3A_56 = arith.constant 16 : i32
      %mul3A_57 = arith.muli %add3A_11, %mul3A_56 : i32
      %add3A_58 = arith.constant 3 : i32
      %add3A_59 = arith.addi %mul3A_57, %add3A_58 : i32
      %dma_start3A_60 = arith.constant 3 : i32
      %dma_start3A_61 = arith.constant 0 : i32
      %dma_start3A_62 = arith.constant 0 : i32
      %dma_start3A_63 = tpu.memref_slice %arg6[%dma_start3A_60, %dma_start3A_61, %dma_start3A_62] : memref<16x50x32xf32, #tpu.memory_space<vmem>> -> memref<1x50x32xf32, #tpu.memory_space<vmem>>
      %dma_start3A_64 = tpu.memref_squeeze %dma_start3A_63 : memref<1x50x32xf32, #tpu.memory_space<vmem>> -> memref<50x32xf32, #tpu.memory_space<vmem>>
      %dma_start3A_65 = arith.constant 0 : i32
      %dma_start3A_66 = tpu.memref_slice %arg5[%add3A_59, %dma_start3A_65] : memref<128x50xi32, #tpu.memory_space<vmem>> -> memref<1x50xi32, #tpu.memory_space<vmem>>
      %dma_start3A_67 = tpu.memref_squeeze %dma_start3A_66 : memref<1x50xi32, #tpu.memory_space<vmem>> -> memref<50xi32, #tpu.memory_space<vmem>>
      %dma_start3A_68 = arith.constant 0 : i32
      %dma_start3A_69 = arith.constant 0 : i32
      %dma_start3A_70 = tpu.memref_slice %arg3[%dma_start3A_68, %dma_start3A_69] : memref<1000001x32xf32, #tpu.memory_space<hbm>> -> memref<1000001x32xf32, #tpu.memory_space<hbm>>
      tpu.enqueue_indirect_dma source(%dma_start3A_70 : memref<1000001x32xf32, #tpu.memory_space<hbm>>) target(%dma_start3A_64 : memref<50x32xf32, #tpu.memory_space<vmem>>) offsets(%dma_start3A_67 : memref<50xi32, #tpu.memory_space<vmem>>) semaphore(%arg7 : memref<!tpu.dma_semaphore, #tpu.memory_space<semaphore_mem>>)
      %mul3A_71 = arith.constant 16 : i32
      %mul3A_72 = arith.muli %add3A_11, %mul3A_71 : i32
      %add3A_73 = arith.constant 4 : i32
      %add3A_74 = arith.addi %mul3A_72, %add3A_73 : i32
      %dma_start3A_75 = arith.constant 4 : i32
      %dma_start3A_76 = arith.constant 0 : i32
      %dma_start3A_77 = arith.constant 0 : i32
      %dma_start3A_78 = tpu.memref_slice %arg6[%dma_start3A_75, %dma_start3A_76, %dma_start3A_77] : memref<16x50x32xf32, #tpu.memory_space<vmem>> -> memref<1x50x32xf32, #tpu.memory_space<vmem>>
      %dma_start3A_79 = tpu.memref_squeeze %dma_start3A_78 : memref<1x50x32xf32, #tpu.memory_space<vmem>> -> memref<50x32xf32, #tpu.memory_space<vmem>>
      %dma_start3A_80 = arith.constant 0 : i32
      %dma_start3A_81 = tpu.memref_slice %arg5[%add3A_74, %dma_start3A_80] : memref<128x50xi32, #tpu.memory_space<vmem>> -> memref<1x50xi32, #tpu.memory_space<vmem>>
      %dma_start3A_82 = tpu.memref_squeeze %dma_start3A_81 : memref<1x50xi32, #tpu.memory_space<vmem>> -> memref<50xi32, #tpu.memory_space<vmem>>
      %dma_start3A_83 = arith.constant 0 : i32
      %dma_start3A_84 = arith.constant 0 : i32
      %dma_start3A_85 = tpu.memref_slice %arg3[%dma_start3A_83, %dma_start3A_84] : memref<1000001x32xf32, #tpu.memory_space<hbm>> -> memref<1000001x32xf32, #tpu.memory_space<hbm>>
      tpu.enqueue_indirect_dma source(%dma_start3A_85 : memref<1000001x32xf32, #tpu.memory_space<hbm>>) target(%dma_start3A_79 : memref<50x32xf32, #tpu.memory_space<vmem>>) offsets(%dma_start3A_82 : memref<50xi32, #tpu.memory_space<vmem>>) semaphore(%arg7 : memref<!tpu.dma_semaphore, #tpu.memory_space<semaphore_mem>>)
      %mul3A_86 = arith.constant 16 : i32
      %mul3A_87 = arith.muli %add3A_11, %mul3A_86 : i32
      %add3A_88 = arith.constant 5 : i32
      %add3A_89 = arith.addi %mul3A_87, %add3A_88 : i32
      %dma_start3A_90 = arith.constant 5 : i32
      %dma_start3A_91 = arith.constant 0 : i32
      %dma_start3A_92 = arith.constant 0 : i32
      %dma_start3A_93 = tpu.memref_slice %arg6[%dma_start3A_90, %dma_start3A_91, %dma_start3A_92] : memref<16x50x32xf32, #tpu.memory_space<vmem>> -> memref<1x50x32xf32, #tpu.memory_space<vmem>>
      %dma_start3A_94 = tpu.memref_squeeze %dma_start3A_93 : memref<1x50x32xf32, #tpu.memory_space<vmem>> -> memref<50x32xf32, #tpu.memory_space<vmem>>
      %dma_start3A_95 = arith.constant 0 : i32
      %dma_start3A_96 = tpu.memref_slice %arg5[%add3A_89, %dma_start3A_95] : memref<128x50xi32, #tpu.memory_space<vmem>> -> memref<1x50xi32, #tpu.memory_space<vmem>>
      %dma_start3A_97 = tpu.memref_squeeze %dma_start3A_96 : memref<1x50xi32, #tpu.memory_space<vmem>> -> memref<50xi32, #tpu.memory_space<vmem>>
      %dma_start3A_98 = arith.constant 0 : i32
      %dma_start3A_99 = arith.constant 0 : i32
      %dma_start3A_100 = tpu.memref_slice %arg3[%dma_start3A_98, %dma_start3A_99] : memref<1000001x32xf32, #tpu.memory_space<hbm>> -> memref<1000001x32xf32, #tpu.memory_space<hbm>>
      tpu.enqueue_indirect_dma source(%dma_start3A_100 : memref<1000001x32xf32, #tpu.memory_space<hbm>>) target(%dma_start3A_94 : memref<50x32xf32, #tpu.memory_space<vmem>>) offsets(%dma_start3A_97 : memref<50xi32, #tpu.memory_space<vmem>>) semaphore(%arg7 : memref<!tpu.dma_semaphore, #tpu.memory_space<semaphore_mem>>)
      %mul3A_101 = arith.constant 16 : i32
      %mul3A_102 = arith.muli %add3A_11, %mul3A_101 : i32
      %add3A_103 = arith.constant 6 : i32
      %add3A_104 = arith.addi %mul3A_102, %add3A_103 : i32
      %dma_start3A_105 = arith.constant 6 : i32
      %dma_start3A_106 = arith.constant 0 : i32
      %dma_start3A_107 = arith.constant 0 : i32
      %dma_start3A_108 = tpu.memref_slice %arg6[%dma_start3A_105, %dma_start3A_106, %dma_start3A_107] : memref<16x50x32xf32, #tpu.memory_space<vmem>> -> memref<1x50x32xf32, #tpu.memory_space<vmem>>
      %dma_start3A_109 = tpu.memref_squeeze %dma_start3A_108 : memref<1x50x32xf32, #tpu.memory_space<vmem>> -> memref<50x32xf32, #tpu.memory_space<vmem>>
      %dma_start3A_110 = arith.constant 0 : i32
      %dma_start3A_111 = tpu.memref_slice %arg5[%add3A_104, %dma_start3A_110] : memref<128x50xi32, #tpu.memory_space<vmem>> -> memref<1x50xi32, #tpu.memory_space<vmem>>
      %dma_start3A_112 = tpu.memref_squeeze %dma_start3A_111 : memref<1x50xi32, #tpu.memory_space<vmem>> -> memref<50xi32, #tpu.memory_space<vmem>>
      %dma_start3A_113 = arith.constant 0 : i32
      %dma_start3A_114 = arith.constant 0 : i32
      %dma_start3A_115 = tpu.memref_slice %arg3[%dma_start3A_113, %dma_start3A_114] : memref<1000001x32xf32, #tpu.memory_space<hbm>> -> memref<1000001x32xf32, #tpu.memory_space<hbm>>
      tpu.enqueue_indirect_dma source(%dma_start3A_115 : memref<1000001x32xf32, #tpu.memory_space<hbm>>) target(%dma_start3A_109 : memref<50x32xf32, #tpu.memory_space<vmem>>) offsets(%dma_start3A_112 : memref<50xi32, #tpu.memory_space<vmem>>) semaphore(%arg7 : memref<!tpu.dma_semaphore, #tpu.memory_space<semaphore_mem>>)
      %mul3A_116 = arith.constant 16 : i32
      %mul3A_117 = arith.muli %add3A_11, %mul3A_116 : i32
      %add3A_118 = arith.constant 7 : i32
      %add3A_119 = arith.addi %mul3A_117, %add3A_118 : i32
      %dma_start3A_120 = arith.constant 7 : i32
      %dma_start3A_121 = arith.constant 0 : i32
      %dma_start3A_122 = arith.constant 0 : i32
      %dma_start3A_123 = tpu.memref_slice %arg6[%dma_start3A_120, %dma_start3A_121, %dma_start3A_122] : memref<16x50x32xf32, #tpu.memory_space<vmem>> -> memref<1x50x32xf32, #tpu.memory_space<vmem>>
      %dma_start3A_124 = tpu.memref_squeeze %dma_start3A_123 : memref<1x50x32xf32, #tpu.memory_space<vmem>> -> memref<50x32xf32, #tpu.memory_space<vmem>>
      %dma_start3A_125 = arith.constant 0 : i32
      %dma_start3A_126 = tpu.memref_slice %arg5[%add3A_119, %dma_start3A_125] : memref<128x50xi32, #tpu.memory_space<vmem>> -> memref<1x50xi32, #tpu.memory_space<vmem>>
      %dma_start3A_127 = tpu.memref_squeeze %dma_start3A_126 : memref<1x50xi32, #tpu.memory_space<vmem>> -> memref<50xi32, #tpu.memory_space<vmem>>
      %dma_start3A_128 = arith.constant 0 : i32
      %dma_start3A_129 = arith.constant 0 : i32
      %dma_start3A_130 = tpu.memref_slice %arg3[%dma_start3A_128, %dma_start3A_129] : memref<1000001x32xf32, #tpu.memory_space<hbm>> -> memref<1000001x32xf32, #tpu.memory_space<hbm>>
      tpu.enqueue_indirect_dma source(%dma_start3A_130 : memref<1000001x32xf32, #tpu.memory_space<hbm>>) target(%dma_start3A_124 : memref<50x32xf32, #tpu.memory_space<vmem>>) offsets(%dma_start3A_127 : memref<50xi32, #tpu.memory_space<vmem>>) semaphore(%arg7 : memref<!tpu.dma_semaphore, #tpu.memory_space<semaphore_mem>>)
      %mul3A_131 = arith.constant 16 : i32
      %mul3A_132 = arith.muli %add3A_11, %mul3A_131 : i32
      %add3A_133 = arith.constant 8 : i32
      %add3A_134 = arith.addi %mul3A_132, %add3A_133 : i32
      %dma_start3A_135 = arith.constant 8 : i32
      %dma_start3A_136 = arith.constant 0 : i32
      %dma_start3A_137 = arith.constant 0 : i32
      %dma_start3A_138 = tpu.memref_slice %arg6[%dma_start3A_135, %dma_start3A_136, %dma_start3A_137] : memref<16x50x32xf32, #tpu.memory_space<vmem>> -> memref<1x50x32xf32, #tpu.memory_space<vmem>>
      %dma_start3A_139 = tpu.memref_squeeze %dma_start3A_138 : memref<1x50x32xf32, #tpu.memory_space<vmem>> -> memref<50x32xf32, #tpu.memory_space<vmem>>
      %dma_start3A_140 = arith.constant 0 : i32
      %dma_start3A_141 = tpu.memref_slice %arg5[%add3A_134, %dma_start3A_140] : memref<128x50xi32, #tpu.memory_space<vmem>> -> memref<1x50xi32, #tpu.memory_space<vmem>>
      %dma_start3A_142 = tpu.memref_squeeze %dma_start3A_141 : memref<1x50xi32, #tpu.memory_space<vmem>> -> memref<50xi32, #tpu.memory_space<vmem>>
      %dma_start3A_143 = arith.constant 0 : i32
      %dma_start3A_144 = arith.constant 0 : i32
      %dma_start3A_145 = tpu.memref_slice %arg3[%dma_start3A_143, %dma_start3A_144] : memref<1000001x32xf32, #tpu.memory_space<hbm>> -> memref<1000001x32xf32, #tpu.memory_space<hbm>>
      tpu.enqueue_indirect_dma source(%dma_start3A_145 : memref<1000001x32xf32, #tpu.memory_space<hbm>>) target(%dma_start3A_139 : memref<50x32xf32, #tpu.memory_space<vmem>>) offsets(%dma_start3A_142 : memref<50xi32, #tpu.memory_space<vmem>>) semaphore(%arg7 : memref<!tpu.dma_semaphore, #tpu.memory_space<semaphore_mem>>)
      %mul3A_146 = arith.constant 16 : i32
      %mul3A_147 = arith.muli %add3A_11, %mul3A_146 : i32
      %add3A_148 = arith.constant 9 : i32
      %add3A_149 = arith.addi %mul3A_147, %add3A_148 : i32
      %dma_start3A_150 = arith.constant 9 : i32
      %dma_start3A_151 = arith.constant 0 : i32
      %dma_start3A_152 = arith.constant 0 : i32
      %dma_start3A_153 = tpu.memref_slice %arg6[%dma_start3A_150, %dma_start3A_151, %dma_start3A_152] : memref<16x50x32xf32, #tpu.memory_space<vmem>> -> memref<1x50x32xf32, #tpu.memory_space<vmem>>
      %dma_start3A_154 = tpu.memref_squeeze %dma_start3A_153 : memref<1x50x32xf32, #tpu.memory_space<vmem>> -> memref<50x32xf32, #tpu.memory_space<vmem>>
      %dma_start3A_155 = arith.constant 0 : i32
      %dma_start3A_156 = tpu.memref_slice %arg5[%add3A_149, %dma_start3A_155] : memref<128x50xi32, #tpu.memory_space<vmem>> -> memref<1x50xi32, #tpu.memory_space<vmem>>
      %dma_start3A_157 = tpu.memref_squeeze %dma_start3A_156 : memref<1x50xi32, #tpu.memory_space<vmem>> -> memref<50xi32, #tpu.memory_space<vmem>>
      %dma_start3A_158 = arith.constant 0 : i32
      %dma_start3A_159 = arith.constant 0 : i32
      %dma_start3A_160 = tpu.memref_slice %arg3[%dma_start3A_158, %dma_start3A_159] : memref<1000001x32xf32, #tpu.memory_space<hbm>> -> memref<1000001x32xf32, #tpu.memory_space<hbm>>
      tpu.enqueue_indirect_dma source(%dma_start3A_160 : memref<1000001x32xf32, #tpu.memory_space<hbm>>) target(%dma_start3A_154 : memref<50x32xf32, #tpu.memory_space<vmem>>) offsets(%dma_start3A_157 : memref<50xi32, #tpu.memory_space<vmem>>) semaphore(%arg7 : memref<!tpu.dma_semaphore, #tpu.memory_space<semaphore_mem>>)
      %mul3A_161 = arith.constant 16 : i32
      %mul3A_162 = arith.muli %add3A_11, %mul3A_161 : i32
      %add3A_163 = arith.constant 10 : i32
      %add3A_164 = arith.addi %mul3A_162, %add3A_163 : i32
      %dma_start3A_165 = arith.constant 10 : i32
      %dma_start3A_166 = arith.constant 0 : i32
      %dma_start3A_167 = arith.constant 0 : i32
      %dma_start3A_168 = tpu.memref_slice %arg6[%dma_start3A_165, %dma_start3A_166, %dma_start3A_167] : memref<16x50x32xf32, #tpu.memory_space<vmem>> -> memref<1x50x32xf32, #tpu.memory_space<vmem>>
      %dma_start3A_169 = tpu.memref_squeeze %dma_start3A_168 : memref<1x50x32xf32, #tpu.memory_space<vmem>> -> memref<50x32xf32, #tpu.memory_space<vmem>>
      %dma_start3A_170 = arith.constant 0 : i32
      %dma_start3A_171 = tpu.memref_slice %arg5[%add3A_164, %dma_start3A_170] : memref<128x50xi32, #tpu.memory_space<vmem>> -> memref<1x50xi32, #tpu.memory_space<vmem>>
      %dma_start3A_172 = tpu.memref_squeeze %dma_start3A_171 : memref<1x50xi32, #tpu.memory_space<vmem>> -> memref<50xi32, #tpu.memory_space<vmem>>
      %dma_start3A_173 = arith.constant 0 : i32
      %dma_start3A_174 = arith.constant 0 : i32
      %dma_start3A_175 = tpu.memref_slice %arg3[%dma_start3A_173, %dma_start3A_174] : memref<1000001x32xf32, #tpu.memory_space<hbm>> -> memref<1000001x32xf32, #tpu.memory_space<hbm>>
      tpu.enqueue_indirect_dma source(%dma_start3A_175 : memref<1000001x32xf32, #tpu.memory_space<hbm>>) target(%dma_start3A_169 : memref<50x32xf32, #tpu.memory_space<vmem>>) offsets(%dma_start3A_172 : memref<50xi32, #tpu.memory_space<vmem>>) semaphore(%arg7 : memref<!tpu.dma_semaphore, #tpu.memory_space<semaphore_mem>>)
      %mul3A_176 = arith.constant 16 : i32
      %mul3A_177 = arith.muli %add3A_11, %mul3A_176 : i32
      %add3A_178 = arith.constant 11 : i32
      %add3A_179 = arith.addi %mul3A_177, %add3A_178 : i32
      %dma_start3A_180 = arith.constant 11 : i32
      %dma_start3A_181 = arith.constant 0 : i32
      %dma_start3A_182 = arith.constant 0 : i32
      %dma_start3A_183 = tpu.memref_slice %arg6[%dma_start3A_180, %dma_start3A_181, %dma_start3A_182] : memref<16x50x32xf32, #tpu.memory_space<vmem>> -> memref<1x50x32xf32, #tpu.memory_space<vmem>>
      %dma_start3A_184 = tpu.memref_squeeze %dma_start3A_183 : memref<1x50x32xf32, #tpu.memory_space<vmem>> -> memref<50x32xf32, #tpu.memory_space<vmem>>
      %dma_start3A_185 = arith.constant 0 : i32
      %dma_start3A_186 = tpu.memref_slice %arg5[%add3A_179, %dma_start3A_185] : memref<128x50xi32, #tpu.memory_space<vmem>> -> memref<1x50xi32, #tpu.memory_space<vmem>>
      %dma_start3A_187 = tpu.memref_squeeze %dma_start3A_186 : memref<1x50xi32, #tpu.memory_space<vmem>> -> memref<50xi32, #tpu.memory_space<vmem>>
      %dma_start3A_188 = arith.constant 0 : i32
      %dma_start3A_189 = arith.constant 0 : i32
      %dma_start3A_190 = tpu.memref_slice %arg3[%dma_start3A_188, %dma_start3A_189] : memref<1000001x32xf32, #tpu.memory_space<hbm>> -> memref<1000001x32xf32, #tpu.memory_space<hbm>>
      tpu.enqueue_indirect_dma source(%dma_start3A_190 : memref<1000001x32xf32, #tpu.memory_space<hbm>>) target(%dma_start3A_184 : memref<50x32xf32, #tpu.memory_space<vmem>>) offsets(%dma_start3A_187 : memref<50xi32, #tpu.memory_space<vmem>>) semaphore(%arg7 : memref<!tpu.dma_semaphore, #tpu.memory_space<semaphore_mem>>)
      %mul3A_191 = arith.constant 16 : i32
      %mul3A_192 = arith.muli %add3A_11, %mul3A_191 : i32
      %add3A_193 = arith.constant 12 : i32
      %add3A_194 = arith.addi %mul3A_192, %add3A_193 : i32
      %dma_start3A_195 = arith.constant 12 : i32
      %dma_start3A_196 = arith.constant 0 : i32
      %dma_start3A_197 = arith.constant 0 : i32
      %dma_start3A_198 = tpu.memref_slice %arg6[%dma_start3A_195, %dma_start3A_196, %dma_start3A_197] : memref<16x50x32xf32, #tpu.memory_space<vmem>> -> memref<1x50x32xf32, #tpu.memory_space<vmem>>
      %dma_start3A_199 = tpu.memref_squeeze %dma_start3A_198 : memref<1x50x32xf32, #tpu.memory_space<vmem>> -> memref<50x32xf32, #tpu.memory_space<vmem>>
      %dma_start3A_200 = arith.constant 0 : i32
      %dma_start3A_201 = tpu.memref_slice %arg5[%add3A_194, %dma_start3A_200] : memref<128x50xi32, #tpu.memory_space<vmem>> -> memref<1x50xi32, #tpu.memory_space<vmem>>
      %dma_start3A_202 = tpu.memref_squeeze %dma_start3A_201 : memref<1x50xi32, #tpu.memory_space<vmem>> -> memref<50xi32, #tpu.memory_space<vmem>>
      %dma_start3A_203 = arith.constant 0 : i32
      %dma_start3A_204 = arith.constant 0 : i32
      %dma_start3A_205 = tpu.memref_slice %arg3[%dma_start3A_203, %dma_start3A_204] : memref<1000001x32xf32, #tpu.memory_space<hbm>> -> memref<1000001x32xf32, #tpu.memory_space<hbm>>
      tpu.enqueue_indirect_dma source(%dma_start3A_205 : memref<1000001x32xf32, #tpu.memory_space<hbm>>) target(%dma_start3A_199 : memref<50x32xf32, #tpu.memory_space<vmem>>) offsets(%dma_start3A_202 : memref<50xi32, #tpu.memory_space<vmem>>) semaphore(%arg7 : memref<!tpu.dma_semaphore, #tpu.memory_space<semaphore_mem>>)
      %mul3A_206 = arith.constant 16 : i32
      %mul3A_207 = arith.muli %add3A_11, %mul3A_206 : i32
      %add3A_208 = arith.constant 13 : i32
      %add3A_209 = arith.addi %mul3A_207, %add3A_208 : i32
      %dma_start3A_210 = arith.constant 13 : i32
      %dma_start3A_211 = arith.constant 0 : i32
      %dma_start3A_212 = arith.constant 0 : i32
      %dma_start3A_213 = tpu.memref_slice %arg6[%dma_start3A_210, %dma_start3A_211, %dma_start3A_212] : memref<16x50x32xf32, #tpu.memory_space<vmem>> -> memref<1x50x32xf32, #tpu.memory_space<vmem>>
      %dma_start3A_214 = tpu.memref_squeeze %dma_start3A_213 : memref<1x50x32xf32, #tpu.memory_space<vmem>> -> memref<50x32xf32, #tpu.memory_space<vmem>>
      %dma_start3A_215 = arith.constant 0 : i32
      %dma_start3A_216 = tpu.memref_slice %arg5[%add3A_209, %dma_start3A_215] : memref<128x50xi32, #tpu.memory_space<vmem>> -> memref<1x50xi32, #tpu.memory_space<vmem>>
      %dma_start3A_217 = tpu.memref_squeeze %dma_start3A_216 : memref<1x50xi32, #tpu.memory_space<vmem>> -> memref<50xi32, #tpu.memory_space<vmem>>
      %dma_start3A_218 = arith.constant 0 : i32
      %dma_start3A_219 = arith.constant 0 : i32
      %dma_start3A_220 = tpu.memref_slice %arg3[%dma_start3A_218, %dma_start3A_219] : memref<1000001x32xf32, #tpu.memory_space<hbm>> -> memref<1000001x32xf32, #tpu.memory_space<hbm>>
      tpu.enqueue_indirect_dma source(%dma_start3A_220 : memref<1000001x32xf32, #tpu.memory_space<hbm>>) target(%dma_start3A_214 : memref<50x32xf32, #tpu.memory_space<vmem>>) offsets(%dma_start3A_217 : memref<50xi32, #tpu.memory_space<vmem>>) semaphore(%arg7 : memref<!tpu.dma_semaphore, #tpu.memory_space<semaphore_mem>>)
      %mul3A_221 = arith.constant 16 : i32
      %mul3A_222 = arith.muli %add3A_11, %mul3A_221 : i32
      %add3A_223 = arith.constant 14 : i32
      %add3A_224 = arith.addi %mul3A_222, %add3A_223 : i32
      %dma_start3A_225 = arith.constant 14 : i32
      %dma_start3A_226 = arith.constant 0 : i32
      %dma_start3A_227 = arith.constant 0 : i32
      %dma_start3A_228 = tpu.memref_slice %arg6[%dma_start3A_225, %dma_start3A_226, %dma_start3A_227] : memref<16x50x32xf32, #tpu.memory_space<vmem>> -> memref<1x50x32xf32, #tpu.memory_space<vmem>>
      %dma_start3A_229 = tpu.memref_squeeze %dma_start3A_228 : memref<1x50x32xf32, #tpu.memory_space<vmem>> -> memref<50x32xf32, #tpu.memory_space<vmem>>
      %dma_start3A_230 = arith.constant 0 : i32
      %dma_start3A_231 = tpu.memref_slice %arg5[%add3A_224, %dma_start3A_230] : memref<128x50xi32, #tpu.memory_space<vmem>> -> memref<1x50xi32, #tpu.memory_space<vmem>>
      %dma_start3A_232 = tpu.memref_squeeze %dma_start3A_231 : memref<1x50xi32, #tpu.memory_space<vmem>> -> memref<50xi32, #tpu.memory_space<vmem>>
      %dma_start3A_233 = arith.constant 0 : i32
      %dma_start3A_234 = arith.constant 0 : i32
      %dma_start3A_235 = tpu.memref_slice %arg3[%dma_start3A_233, %dma_start3A_234] : memref<1000001x32xf32, #tpu.memory_space<hbm>> -> memref<1000001x32xf32, #tpu.memory_space<hbm>>
      tpu.enqueue_indirect_dma source(%dma_start3A_235 : memref<1000001x32xf32, #tpu.memory_space<hbm>>) target(%dma_start3A_229 : memref<50x32xf32, #tpu.memory_space<vmem>>) offsets(%dma_start3A_232 : memref<50xi32, #tpu.memory_space<vmem>>) semaphore(%arg7 : memref<!tpu.dma_semaphore, #tpu.memory_space<semaphore_mem>>)
      %mul3A_236 = arith.constant 16 : i32
      %mul3A_237 = arith.muli %add3A_11, %mul3A_236 : i32
      %add3A_238 = arith.constant 15 : i32
      %add3A_239 = arith.addi %mul3A_237, %add3A_238 : i32
      %dma_start3A_240 = arith.constant 15 : i32
      %dma_start3A_241 = arith.constant 0 : i32
      %dma_start3A_242 = arith.constant 0 : i32
      %dma_start3A_243 = tpu.memref_slice %arg6[%dma_start3A_240, %dma_start3A_241, %dma_start3A_242] : memref<16x50x32xf32, #tpu.memory_space<vmem>> -> memref<1x50x32xf32, #tpu.memory_space<vmem>>
      %dma_start3A_244 = tpu.memref_squeeze %dma_start3A_243 : memref<1x50x32xf32, #tpu.memory_space<vmem>> -> memref<50x32xf32, #tpu.memory_space<vmem>>
      %dma_start3A_245 = arith.constant 0 : i32
      %dma_start3A_246 = tpu.memref_slice %arg5[%add3A_239, %dma_start3A_245] : memref<128x50xi32, #tpu.memory_space<vmem>> -> memref<1x50xi32, #tpu.memory_space<vmem>>
      %dma_start3A_247 = tpu.memref_squeeze %dma_start3A_246 : memref<1x50xi32, #tpu.memory_space<vmem>> -> memref<50xi32, #tpu.memory_space<vmem>>
      %dma_start3A_248 = arith.constant 0 : i32
      %dma_start3A_249 = arith.constant 0 : i32
      %dma_start3A_250 = tpu.memref_slice %arg3[%dma_start3A_248, %dma_start3A_249] : memref<1000001x32xf32, #tpu.memory_space<hbm>> -> memref<1000001x32xf32, #tpu.memory_space<hbm>>
      tpu.enqueue_indirect_dma source(%dma_start3A_250 : memref<1000001x32xf32, #tpu.memory_space<hbm>>) target(%dma_start3A_244 : memref<50x32xf32, #tpu.memory_space<vmem>>) offsets(%dma_start3A_247 : memref<50xi32, #tpu.memory_space<vmem>>) semaphore(%arg7 : memref<!tpu.dma_semaphore, #tpu.memory_space<semaphore_mem>>)
      %dma_wait3A = arith.constant 0 : i32
      %dma_wait3A_251 = arith.constant 0 : i32
      %dma_wait3A_252 = arith.constant 0 : i32
      %dma_wait3A_253 = tpu.memref_slice %arg6[%dma_wait3A, %dma_wait3A_251, %dma_wait3A_252] : memref<16x50x32xf32, #tpu.memory_space<vmem>> -> memref<1x50x32xf32, #tpu.memory_space<vmem>>
      %dma_wait3A_254 = tpu.memref_squeeze %dma_wait3A_253 : memref<1x50x32xf32, #tpu.memory_space<vmem>> -> memref<50x32xf32, #tpu.memory_space<vmem>>
      %dma_wait3A_255 = arith.constant 0 : i32
      %dma_wait3A_256 = tpu.memref_slice %arg5[%add3A_15, %dma_wait3A_255] : memref<128x50xi32, #tpu.memory_space<vmem>> -> memref<1x50xi32, #tpu.memory_space<vmem>>
      %dma_wait3A_257 = tpu.memref_squeeze %dma_wait3A_256 : memref<1x50xi32, #tpu.memory_space<vmem>> -> memref<50xi32, #tpu.memory_space<vmem>>
      %dma_wait3A_258 = arith.constant 0 : i32
      %dma_wait3A_259 = arith.constant 0 : i32
      %dma_wait3A_260 = tpu.memref_slice %arg3[%dma_wait3A_258, %dma_wait3A_259] : memref<1000001x32xf32, #tpu.memory_space<hbm>> -> memref<1000001x32xf32, #tpu.memory_space<hbm>>
      tpu.wait_indirect_dma semaphore(%arg7 : memref<!tpu.dma_semaphore, #tpu.memory_space<semaphore_mem>>) src(%dma_wait3A_260 : memref<1000001x32xf32, #tpu.memory_space<hbm>>) dst(%dma_wait3A_254 : memref<50x32xf32, #tpu.memory_space<vmem>>)
      %dma_wait3A_261 = arith.constant 1 : i32
      %dma_wait3A_262 = arith.constant 0 : i32
      %dma_wait3A_263 = arith.constant 0 : i32
      %dma_wait3A_264 = tpu.memref_slice %arg6[%dma_wait3A_261, %dma_wait3A_262, %dma_wait3A_263] : memref<16x50x32xf32, #tpu.memory_space<vmem>> -> memref<1x50x32xf32, #tpu.memory_space<vmem>>
      %dma_wait3A_265 = tpu.memref_squeeze %dma_wait3A_264 : memref<1x50x32xf32, #tpu.memory_space<vmem>> -> memref<50x32xf32, #tpu.memory_space<vmem>>
      %dma_wait3A_266 = arith.constant 0 : i32
      %dma_wait3A_267 = tpu.memref_slice %arg5[%add3A_29, %dma_wait3A_266] : memref<128x50xi32, #tpu.memory_space<vmem>> -> memref<1x50xi32, #tpu.memory_space<vmem>>
      %dma_wait3A_268 = tpu.memref_squeeze %dma_wait3A_267 : memref<1x50xi32, #tpu.memory_space<vmem>> -> memref<50xi32, #tpu.memory_space<vmem>>
      %dma_wait3A_269 = arith.constant 0 : i32
      %dma_wait3A_270 = arith.constant 0 : i32
      %dma_wait3A_271 = tpu.memref_slice %arg3[%dma_wait3A_269, %dma_wait3A_270] : memref<1000001x32xf32, #tpu.memory_space<hbm>> -> memref<1000001x32xf32, #tpu.memory_space<hbm>>
      tpu.wait_indirect_dma semaphore(%arg7 : memref<!tpu.dma_semaphore, #tpu.memory_space<semaphore_mem>>) src(%dma_wait3A_271 : memref<1000001x32xf32, #tpu.memory_space<hbm>>) dst(%dma_wait3A_265 : memref<50x32xf32, #tpu.memory_space<vmem>>)
      %dma_wait3A_272 = arith.constant 2 : i32
      %dma_wait3A_273 = arith.constant 0 : i32
      %dma_wait3A_274 = arith.constant 0 : i32
      %dma_wait3A_275 = tpu.memref_slice %arg6[%dma_wait3A_272, %dma_wait3A_273, %dma_wait3A_274] : memref<16x50x32xf32, #tpu.memory_space<vmem>> -> memref<1x50x32xf32, #tpu.memory_space<vmem>>
      %dma_wait3A_276 = tpu.memref_squeeze %dma_wait3A_275 : memref<1x50x32xf32, #tpu.memory_space<vmem>> -> memref<50x32xf32, #tpu.memory_space<vmem>>
      %dma_wait3A_277 = arith.constant 0 : i32
      %dma_wait3A_278 = tpu.memref_slice %arg5[%add3A_44, %dma_wait3A_277] : memref<128x50xi32, #tpu.memory_space<vmem>> -> memref<1x50xi32, #tpu.memory_space<vmem>>
      %dma_wait3A_279 = tpu.memref_squeeze %dma_wait3A_278 : memref<1x50xi32, #tpu.memory_space<vmem>> -> memref<50xi32, #tpu.memory_space<vmem>>
      %dma_wait3A_280 = arith.constant 0 : i32
      %dma_wait3A_281 = arith.constant 0 : i32
      %dma_wait3A_282 = tpu.memref_slice %arg3[%dma_wait3A_280, %dma_wait3A_281] : memref<1000001x32xf32, #tpu.memory_space<hbm>> -> memref<1000001x32xf32, #tpu.memory_space<hbm>>
      tpu.wait_indirect_dma semaphore(%arg7 : memref<!tpu.dma_semaphore, #tpu.memory_space<semaphore_mem>>) src(%dma_wait3A_282 : memref<1000001x32xf32, #tpu.memory_space<hbm>>) dst(%dma_wait3A_276 : memref<50x32xf32, #tpu.memory_space<vmem>>)
      %dma_wait3A_283 = arith.constant 3 : i32
      %dma_wait3A_284 = arith.constant 0 : i32
      %dma_wait3A_285 = arith.constant 0 : i32
      %dma_wait3A_286 = tpu.memref_slice %arg6[%dma_wait3A_283, %dma_wait3A_284, %dma_wait3A_285] : memref<16x50x32xf32, #tpu.memory_space<vmem>> -> memref<1x50x32xf32, #tpu.memory_space<vmem>>
      %dma_wait3A_287 = tpu.memref_squeeze %dma_wait3A_286 : memref<1x50x32xf32, #tpu.memory_space<vmem>> -> memref<50x32xf32, #tpu.memory_space<vmem>>
      %dma_wait3A_288 = arith.constant 0 : i32
      %dma_wait3A_289 = tpu.memref_slice %arg5[%add3A_59, %dma_wait3A_288] : memref<128x50xi32, #tpu.memory_space<vmem>> -> memref<1x50xi32, #tpu.memory_space<vmem>>
      %dma_wait3A_290 = tpu.memref_squeeze %dma_wait3A_289 : memref<1x50xi32, #tpu.memory_space<vmem>> -> memref<50xi32, #tpu.memory_space<vmem>>
      %dma_wait3A_291 = arith.constant 0 : i32
      %dma_wait3A_292 = arith.constant 0 : i32
      %dma_wait3A_293 = tpu.memref_slice %arg3[%dma_wait3A_291, %dma_wait3A_292] : memref<1000001x32xf32, #tpu.memory_space<hbm>> -> memref<1000001x32xf32, #tpu.memory_space<hbm>>
      tpu.wait_indirect_dma semaphore(%arg7 : memref<!tpu.dma_semaphore, #tpu.memory_space<semaphore_mem>>) src(%dma_wait3A_293 : memref<1000001x32xf32, #tpu.memory_space<hbm>>) dst(%dma_wait3A_287 : memref<50x32xf32, #tpu.memory_space<vmem>>)
      %dma_wait3A_294 = arith.constant 4 : i32
      %dma_wait3A_295 = arith.constant 0 : i32
      %dma_wait3A_296 = arith.constant 0 : i32
      %dma_wait3A_297 = tpu.memref_slice %arg6[%dma_wait3A_294, %dma_wait3A_295, %dma_wait3A_296] : memref<16x50x32xf32, #tpu.memory_space<vmem>> -> memref<1x50x32xf32, #tpu.memory_space<vmem>>
      %dma_wait3A_298 = tpu.memref_squeeze %dma_wait3A_297 : memref<1x50x32xf32, #tpu.memory_space<vmem>> -> memref<50x32xf32, #tpu.memory_space<vmem>>
      %dma_wait3A_299 = arith.constant 0 : i32
      %dma_wait3A_300 = tpu.memref_slice %arg5[%add3A_74, %dma_wait3A_299] : memref<128x50xi32, #tpu.memory_space<vmem>> -> memref<1x50xi32, #tpu.memory_space<vmem>>
      %dma_wait3A_301 = tpu.memref_squeeze %dma_wait3A_300 : memref<1x50xi32, #tpu.memory_space<vmem>> -> memref<50xi32, #tpu.memory_space<vmem>>
      %dma_wait3A_302 = arith.constant 0 : i32
      %dma_wait3A_303 = arith.constant 0 : i32
      %dma_wait3A_304 = tpu.memref_slice %arg3[%dma_wait3A_302, %dma_wait3A_303] : memref<1000001x32xf32, #tpu.memory_space<hbm>> -> memref<1000001x32xf32, #tpu.memory_space<hbm>>
      tpu.wait_indirect_dma semaphore(%arg7 : memref<!tpu.dma_semaphore, #tpu.memory_space<semaphore_mem>>) src(%dma_wait3A_304 : memref<1000001x32xf32, #tpu.memory_space<hbm>>) dst(%dma_wait3A_298 : memref<50x32xf32, #tpu.memory_space<vmem>>)
      %dma_wait3A_305 = arith.constant 5 : i32
      %dma_wait3A_306 = arith.constant 0 : i32
      %dma_wait3A_307 = arith.constant 0 : i32
      %dma_wait3A_308 = tpu.memref_slice %arg6[%dma_wait3A_305, %dma_wait3A_306, %dma_wait3A_307] : memref<16x50x32xf32, #tpu.memory_space<vmem>> -> memref<1x50x32xf32, #tpu.memory_space<vmem>>
      %dma_wait3A_309 = tpu.memref_squeeze %dma_wait3A_308 : memref<1x50x32xf32, #tpu.memory_space<vmem>> -> memref<50x32xf32, #tpu.memory_space<vmem>>
      %dma_wait3A_310 = arith.constant 0 : i32
      %dma_wait3A_311 = tpu.memref_slice %arg5[%add3A_89, %dma_wait3A_310] : memref<128x50xi32, #tpu.memory_space<vmem>> -> memref<1x50xi32, #tpu.memory_space<vmem>>
      %dma_wait3A_312 = tpu.memref_squeeze %dma_wait3A_311 : memref<1x50xi32, #tpu.memory_space<vmem>> -> memref<50xi32, #tpu.memory_space<vmem>>
      %dma_wait3A_313 = arith.constant 0 : i32
      %dma_wait3A_314 = arith.constant 0 : i32
      %dma_wait3A_315 = tpu.memref_slice %arg3[%dma_wait3A_313, %dma_wait3A_314] : memref<1000001x32xf32, #tpu.memory_space<hbm>> -> memref<1000001x32xf32, #tpu.memory_space<hbm>>
      tpu.wait_indirect_dma semaphore(%arg7 : memref<!tpu.dma_semaphore, #tpu.memory_space<semaphore_mem>>) src(%dma_wait3A_315 : memref<1000001x32xf32, #tpu.memory_space<hbm>>) dst(%dma_wait3A_309 : memref<50x32xf32, #tpu.memory_space<vmem>>)
      %dma_wait3A_316 = arith.constant 6 : i32
      %dma_wait3A_317 = arith.constant 0 : i32
      %dma_wait3A_318 = arith.constant 0 : i32
      %dma_wait3A_319 = tpu.memref_slice %arg6[%dma_wait3A_316, %dma_wait3A_317, %dma_wait3A_318] : memref<16x50x32xf32, #tpu.memory_space<vmem>> -> memref<1x50x32xf32, #tpu.memory_space<vmem>>
      %dma_wait3A_320 = tpu.memref_squeeze %dma_wait3A_319 : memref<1x50x32xf32, #tpu.memory_space<vmem>> -> memref<50x32xf32, #tpu.memory_space<vmem>>
      %dma_wait3A_321 = arith.constant 0 : i32
      %dma_wait3A_322 = tpu.memref_slice %arg5[%add3A_104, %dma_wait3A_321] : memref<128x50xi32, #tpu.memory_space<vmem>> -> memref<1x50xi32, #tpu.memory_space<vmem>>
      %dma_wait3A_323 = tpu.memref_squeeze %dma_wait3A_322 : memref<1x50xi32, #tpu.memory_space<vmem>> -> memref<50xi32, #tpu.memory_space<vmem>>
      %dma_wait3A_324 = arith.constant 0 : i32
      %dma_wait3A_325 = arith.constant 0 : i32
      %dma_wait3A_326 = tpu.memref_slice %arg3[%dma_wait3A_324, %dma_wait3A_325] : memref<1000001x32xf32, #tpu.memory_space<hbm>> -> memref<1000001x32xf32, #tpu.memory_space<hbm>>
      tpu.wait_indirect_dma semaphore(%arg7 : memref<!tpu.dma_semaphore, #tpu.memory_space<semaphore_mem>>) src(%dma_wait3A_326 : memref<1000001x32xf32, #tpu.memory_space<hbm>>) dst(%dma_wait3A_320 : memref<50x32xf32, #tpu.memory_space<vmem>>)
      %dma_wait3A_327 = arith.constant 7 : i32
      %dma_wait3A_328 = arith.constant 0 : i32
      %dma_wait3A_329 = arith.constant 0 : i32
      %dma_wait3A_330 = tpu.memref_slice %arg6[%dma_wait3A_327, %dma_wait3A_328, %dma_wait3A_329] : memref<16x50x32xf32, #tpu.memory_space<vmem>> -> memref<1x50x32xf32, #tpu.memory_space<vmem>>
      %dma_wait3A_331 = tpu.memref_squeeze %dma_wait3A_330 : memref<1x50x32xf32, #tpu.memory_space<vmem>> -> memref<50x32xf32, #tpu.memory_space<vmem>>
      %dma_wait3A_332 = arith.constant 0 : i32
      %dma_wait3A_333 = tpu.memref_slice %arg5[%add3A_119, %dma_wait3A_332] : memref<128x50xi32, #tpu.memory_space<vmem>> -> memref<1x50xi32, #tpu.memory_space<vmem>>
      %dma_wait3A_334 = tpu.memref_squeeze %dma_wait3A_333 : memref<1x50xi32, #tpu.memory_space<vmem>> -> memref<50xi32, #tpu.memory_space<vmem>>
      %dma_wait3A_335 = arith.constant 0 : i32
      %dma_wait3A_336 = arith.constant 0 : i32
      %dma_wait3A_337 = tpu.memref_slice %arg3[%dma_wait3A_335, %dma_wait3A_336] : memref<1000001x32xf32, #tpu.memory_space<hbm>> -> memref<1000001x32xf32, #tpu.memory_space<hbm>>
      tpu.wait_indirect_dma semaphore(%arg7 : memref<!tpu.dma_semaphore, #tpu.memory_space<semaphore_mem>>) src(%dma_wait3A_337 : memref<1000001x32xf32, #tpu.memory_space<hbm>>) dst(%dma_wait3A_331 : memref<50x32xf32, #tpu.memory_space<vmem>>)
      %dma_wait3A_338 = arith.constant 8 : i32
      %dma_wait3A_339 = arith.constant 0 : i32
      %dma_wait3A_340 = arith.constant 0 : i32
      %dma_wait3A_341 = tpu.memref_slice %arg6[%dma_wait3A_338, %dma_wait3A_339, %dma_wait3A_340] : memref<16x50x32xf32, #tpu.memory_space<vmem>> -> memref<1x50x32xf32, #tpu.memory_space<vmem>>
      %dma_wait3A_342 = tpu.memref_squeeze %dma_wait3A_341 : memref<1x50x32xf32, #tpu.memory_space<vmem>> -> memref<50x32xf32, #tpu.memory_space<vmem>>
      %dma_wait3A_343 = arith.constant 0 : i32
      %dma_wait3A_344 = tpu.memref_slice %arg5[%add3A_134, %dma_wait3A_343] : memref<128x50xi32, #tpu.memory_space<vmem>> -> memref<1x50xi32, #tpu.memory_space<vmem>>
      %dma_wait3A_345 = tpu.memref_squeeze %dma_wait3A_344 : memref<1x50xi32, #tpu.memory_space<vmem>> -> memref<50xi32, #tpu.memory_space<vmem>>
      %dma_wait3A_346 = arith.constant 0 : i32
      %dma_wait3A_347 = arith.constant 0 : i32
      %dma_wait3A_348 = tpu.memref_slice %arg3[%dma_wait3A_346, %dma_wait3A_347] : memref<1000001x32xf32, #tpu.memory_space<hbm>> -> memref<1000001x32xf32, #tpu.memory_space<hbm>>
      tpu.wait_indirect_dma semaphore(%arg7 : memref<!tpu.dma_semaphore, #tpu.memory_space<semaphore_mem>>) src(%dma_wait3A_348 : memref<1000001x32xf32, #tpu.memory_space<hbm>>) dst(%dma_wait3A_342 : memref<50x32xf32, #tpu.memory_space<vmem>>)
      %dma_wait3A_349 = arith.constant 9 : i32
      %dma_wait3A_350 = arith.constant 0 : i32
      %dma_wait3A_351 = arith.constant 0 : i32
      %dma_wait3A_352 = tpu.memref_slice %arg6[%dma_wait3A_349, %dma_wait3A_350, %dma_wait3A_351] : memref<16x50x32xf32, #tpu.memory_space<vmem>> -> memref<1x50x32xf32, #tpu.memory_space<vmem>>
      %dma_wait3A_353 = tpu.memref_squeeze %dma_wait3A_352 : memref<1x50x32xf32, #tpu.memory_space<vmem>> -> memref<50x32xf32, #tpu.memory_space<vmem>>
      %dma_wait3A_354 = arith.constant 0 : i32
      %dma_wait3A_355 = tpu.memref_slice %arg5[%add3A_149, %dma_wait3A_354] : memref<128x50xi32, #tpu.memory_space<vmem>> -> memref<1x50xi32, #tpu.memory_space<vmem>>
      %dma_wait3A_356 = tpu.memref_squeeze %dma_wait3A_355 : memref<1x50xi32, #tpu.memory_space<vmem>> -> memref<50xi32, #tpu.memory_space<vmem>>
      %dma_wait3A_357 = arith.constant 0 : i32
      %dma_wait3A_358 = arith.constant 0 : i32
      %dma_wait3A_359 = tpu.memref_slice %arg3[%dma_wait3A_357, %dma_wait3A_358] : memref<1000001x32xf32, #tpu.memory_space<hbm>> -> memref<1000001x32xf32, #tpu.memory_space<hbm>>
      tpu.wait_indirect_dma semaphore(%arg7 : memref<!tpu.dma_semaphore, #tpu.memory_space<semaphore_mem>>) src(%dma_wait3A_359 : memref<1000001x32xf32, #tpu.memory_space<hbm>>) dst(%dma_wait3A_353 : memref<50x32xf32, #tpu.memory_space<vmem>>)
      %dma_wait3A_360 = arith.constant 10 : i32
      %dma_wait3A_361 = arith.constant 0 : i32
      %dma_wait3A_362 = arith.constant 0 : i32
      %dma_wait3A_363 = tpu.memref_slice %arg6[%dma_wait3A_360, %dma_wait3A_361, %dma_wait3A_362] : memref<16x50x32xf32, #tpu.memory_space<vmem>> -> memref<1x50x32xf32, #tpu.memory_space<vmem>>
      %dma_wait3A_364 = tpu.memref_squeeze %dma_wait3A_363 : memref<1x50x32xf32, #tpu.memory_space<vmem>> -> memref<50x32xf32, #tpu.memory_space<vmem>>
      %dma_wait3A_365 = arith.constant 0 : i32
      %dma_wait3A_366 = tpu.memref_slice %arg5[%add3A_164, %dma_wait3A_365] : memref<128x50xi32, #tpu.memory_space<vmem>> -> memref<1x50xi32, #tpu.memory_space<vmem>>
      %dma_wait3A_367 = tpu.memref_squeeze %dma_wait3A_366 : memref<1x50xi32, #tpu.memory_space<vmem>> -> memref<50xi32, #tpu.memory_space<vmem>>
      %dma_wait3A_368 = arith.constant 0 : i32
      %dma_wait3A_369 = arith.constant 0 : i32
      %dma_wait3A_370 = tpu.memref_slice %arg3[%dma_wait3A_368, %dma_wait3A_369] : memref<1000001x32xf32, #tpu.memory_space<hbm>> -> memref<1000001x32xf32, #tpu.memory_space<hbm>>
      tpu.wait_indirect_dma semaphore(%arg7 : memref<!tpu.dma_semaphore, #tpu.memory_space<semaphore_mem>>) src(%dma_wait3A_370 : memref<1000001x32xf32, #tpu.memory_space<hbm>>) dst(%dma_wait3A_364 : memref<50x32xf32, #tpu.memory_space<vmem>>)
      %dma_wait3A_371 = arith.constant 11 : i32
      %dma_wait3A_372 = arith.constant 0 : i32
      %dma_wait3A_373 = arith.constant 0 : i32
      %dma_wait3A_374 = tpu.memref_slice %arg6[%dma_wait3A_371, %dma_wait3A_372, %dma_wait3A_373] : memref<16x50x32xf32, #tpu.memory_space<vmem>> -> memref<1x50x32xf32, #tpu.memory_space<vmem>>
      %dma_wait3A_375 = tpu.memref_squeeze %dma_wait3A_374 : memref<1x50x32xf32, #tpu.memory_space<vmem>> -> memref<50x32xf32, #tpu.memory_space<vmem>>
      %dma_wait3A_376 = arith.constant 0 : i32
      %dma_wait3A_377 = tpu.memref_slice %arg5[%add3A_179, %dma_wait3A_376] : memref<128x50xi32, #tpu.memory_space<vmem>> -> memref<1x50xi32, #tpu.memory_space<vmem>>
      %dma_wait3A_378 = tpu.memref_squeeze %dma_wait3A_377 : memref<1x50xi32, #tpu.memory_space<vmem>> -> memref<50xi32, #tpu.memory_space<vmem>>
      %dma_wait3A_379 = arith.constant 0 : i32
      %dma_wait3A_380 = arith.constant 0 : i32
      %dma_wait3A_381 = tpu.memref_slice %arg3[%dma_wait3A_379, %dma_wait3A_380] : memref<1000001x32xf32, #tpu.memory_space<hbm>> -> memref<1000001x32xf32, #tpu.memory_space<hbm>>
      tpu.wait_indirect_dma semaphore(%arg7 : memref<!tpu.dma_semaphore, #tpu.memory_space<semaphore_mem>>) src(%dma_wait3A_381 : memref<1000001x32xf32, #tpu.memory_space<hbm>>) dst(%dma_wait3A_375 : memref<50x32xf32, #tpu.memory_space<vmem>>)
      %dma_wait3A_382 = arith.constant 12 : i32
      %dma_wait3A_383 = arith.constant 0 : i32
      %dma_wait3A_384 = arith.constant 0 : i32
      %dma_wait3A_385 = tpu.memref_slice %arg6[%dma_wait3A_382, %dma_wait3A_383, %dma_wait3A_384] : memref<16x50x32xf32, #tpu.memory_space<vmem>> -> memref<1x50x32xf32, #tpu.memory_space<vmem>>
      %dma_wait3A_386 = tpu.memref_squeeze %dma_wait3A_385 : memref<1x50x32xf32, #tpu.memory_space<vmem>> -> memref<50x32xf32, #tpu.memory_space<vmem>>
      %dma_wait3A_387 = arith.constant 0 : i32
      %dma_wait3A_388 = tpu.memref_slice %arg5[%add3A_194, %dma_wait3A_387] : memref<128x50xi32, #tpu.memory_space<vmem>> -> memref<1x50xi32, #tpu.memory_space<vmem>>
      %dma_wait3A_389 = tpu.memref_squeeze %dma_wait3A_388 : memref<1x50xi32, #tpu.memory_space<vmem>> -> memref<50xi32, #tpu.memory_space<vmem>>
      %dma_wait3A_390 = arith.constant 0 : i32
      %dma_wait3A_391 = arith.constant 0 : i32
      %dma_wait3A_392 = tpu.memref_slice %arg3[%dma_wait3A_390, %dma_wait3A_391] : memref<1000001x32xf32, #tpu.memory_space<hbm>> -> memref<1000001x32xf32, #tpu.memory_space<hbm>>
      tpu.wait_indirect_dma semaphore(%arg7 : memref<!tpu.dma_semaphore, #tpu.memory_space<semaphore_mem>>) src(%dma_wait3A_392 : memref<1000001x32xf32, #tpu.memory_space<hbm>>) dst(%dma_wait3A_386 : memref<50x32xf32, #tpu.memory_space<vmem>>)
      %dma_wait3A_393 = arith.constant 13 : i32
      %dma_wait3A_394 = arith.constant 0 : i32
      %dma_wait3A_395 = arith.constant 0 : i32
      %dma_wait3A_396 = tpu.memref_slice %arg6[%dma_wait3A_393, %dma_wait3A_394, %dma_wait3A_395] : memref<16x50x32xf32, #tpu.memory_space<vmem>> -> memref<1x50x32xf32, #tpu.memory_space<vmem>>
      %dma_wait3A_397 = tpu.memref_squeeze %dma_wait3A_396 : memref<1x50x32xf32, #tpu.memory_space<vmem>> -> memref<50x32xf32, #tpu.memory_space<vmem>>
      %dma_wait3A_398 = arith.constant 0 : i32
      %dma_wait3A_399 = tpu.memref_slice %arg5[%add3A_209, %dma_wait3A_398] : memref<128x50xi32, #tpu.memory_space<vmem>> -> memref<1x50xi32, #tpu.memory_space<vmem>>
      %dma_wait3A_400 = tpu.memref_squeeze %dma_wait3A_399 : memref<1x50xi32, #tpu.memory_space<vmem>> -> memref<50xi32, #tpu.memory_space<vmem>>
      %dma_wait3A_401 = arith.constant 0 : i32
      %dma_wait3A_402 = arith.constant 0 : i32
      %dma_wait3A_403 = tpu.memref_slice %arg3[%dma_wait3A_401, %dma_wait3A_402] : memref<1000001x32xf32, #tpu.memory_space<hbm>> -> memref<1000001x32xf32, #tpu.memory_space<hbm>>
      tpu.wait_indirect_dma semaphore(%arg7 : memref<!tpu.dma_semaphore, #tpu.memory_space<semaphore_mem>>) src(%dma_wait3A_403 : memref<1000001x32xf32, #tpu.memory_space<hbm>>) dst(%dma_wait3A_397 : memref<50x32xf32, #tpu.memory_space<vmem>>)
      %dma_wait3A_404 = arith.constant 14 : i32
      %dma_wait3A_405 = arith.constant 0 : i32
      %dma_wait3A_406 = arith.constant 0 : i32
      %dma_wait3A_407 = tpu.memref_slice %arg6[%dma_wait3A_404, %dma_wait3A_405, %dma_wait3A_406] : memref<16x50x32xf32, #tpu.memory_space<vmem>> -> memref<1x50x32xf32, #tpu.memory_space<vmem>>
      %dma_wait3A_408 = tpu.memref_squeeze %dma_wait3A_407 : memref<1x50x32xf32, #tpu.memory_space<vmem>> -> memref<50x32xf32, #tpu.memory_space<vmem>>
      %dma_wait3A_409 = arith.constant 0 : i32
      %dma_wait3A_410 = tpu.memref_slice %arg5[%add3A_224, %dma_wait3A_409] : memref<128x50xi32, #tpu.memory_space<vmem>> -> memref<1x50xi32, #tpu.memory_space<vmem>>
      %dma_wait3A_411 = tpu.memref_squeeze %dma_wait3A_410 : memref<1x50xi32, #tpu.memory_space<vmem>> -> memref<50xi32, #tpu.memory_space<vmem>>
      %dma_wait3A_412 = arith.constant 0 : i32
      %dma_wait3A_413 = arith.constant 0 : i32
      %dma_wait3A_414 = tpu.memref_slice %arg3[%dma_wait3A_412, %dma_wait3A_413] : memref<1000001x32xf32, #tpu.memory_space<hbm>> -> memref<1000001x32xf32, #tpu.memory_space<hbm>>
      tpu.wait_indirect_dma semaphore(%arg7 : memref<!tpu.dma_semaphore, #tpu.memory_space<semaphore_mem>>) src(%dma_wait3A_414 : memref<1000001x32xf32, #tpu.memory_space<hbm>>) dst(%dma_wait3A_408 : memref<50x32xf32, #tpu.memory_space<vmem>>)
      %dma_wait3A_415 = arith.constant 15 : i32
      %dma_wait3A_416 = arith.constant 0 : i32
      %dma_wait3A_417 = arith.constant 0 : i32
      %dma_wait3A_418 = tpu.memref_slice %arg6[%dma_wait3A_415, %dma_wait3A_416, %dma_wait3A_417] : memref<16x50x32xf32, #tpu.memory_space<vmem>> -> memref<1x50x32xf32, #tpu.memory_space<vmem>>
      %dma_wait3A_419 = tpu.memref_squeeze %dma_wait3A_418 : memref<1x50x32xf32, #tpu.memory_space<vmem>> -> memref<50x32xf32, #tpu.memory_space<vmem>>
      %dma_wait3A_420 = arith.constant 0 : i32
      %dma_wait3A_421 = tpu.memref_slice %arg5[%add3A_239, %dma_wait3A_420] : memref<128x50xi32, #tpu.memory_space<vmem>> -> memref<1x50xi32, #tpu.memory_space<vmem>>
      %dma_wait3A_422 = tpu.memref_squeeze %dma_wait3A_421 : memref<1x50xi32, #tpu.memory_space<vmem>> -> memref<50xi32, #tpu.memory_space<vmem>>
      %dma_wait3A_423 = arith.constant 0 : i32
      %dma_wait3A_424 = arith.constant 0 : i32
      %dma_wait3A_425 = tpu.memref_slice %arg3[%dma_wait3A_423, %dma_wait3A_424] : memref<1000001x32xf32, #tpu.memory_space<hbm>> -> memref<1000001x32xf32, #tpu.memory_space<hbm>>
      tpu.wait_indirect_dma semaphore(%arg7 : memref<!tpu.dma_semaphore, #tpu.memory_space<semaphore_mem>>) src(%dma_wait3A_425 : memref<1000001x32xf32, #tpu.memory_space<hbm>>) dst(%dma_wait3A_419 : memref<50x32xf32, #tpu.memory_space<vmem>>)
      %mul3A_426 = arith.constant 16 : i32
      %mul3A_427 = arith.muli %add3A_11, %mul3A_426 : i32
      %add3A_428 = arith.addi %mul3A_2, %mul3A_427 : i32
      "tpu.region"() ({
        %run_scoped3A = tpu.sem_alloc : memref<!tpu.dma_semaphore, #tpu.memory_space<semaphore_mem>>
        %dma_start3A_429 = arith.constant 0 : i32
        %dma_start3A_430 = arith.constant 0 : i32
        %dma_start3A_431 = tpu.memref_slice %arg4[%add3A_428, %dma_start3A_429, %dma_start3A_430] : memref<4096x50x32xf32, #tpu.memory_space<hbm>> -> memref<16x50x32xf32, #tpu.memory_space<hbm>>
        %dma_start3A_432 = arith.constant 0 : i32
        %dma_start3A_433 = arith.constant 0 : i32
        %dma_start3A_434 = tpu.memref_slice %arg4[%add3A_428, %dma_start3A_432, %dma_start3A_433] : memref<4096x50x32xf32, #tpu.memory_space<hbm>> -> memref<16x50x32xf32, #tpu.memory_space<hbm>>
        tpu.enqueue_dma source(%arg6 : memref<16x50x32xf32, #tpu.memory_space<vmem>>) target(%dma_start3A_434 : memref<16x50x32xf32, #tpu.memory_space<hbm>>) target_semaphore(%run_scoped3A : memref<!tpu.dma_semaphore, #tpu.memory_space<semaphore_mem>>)
        %dma_wait3A_435 = arith.constant 0 : i32
        %dma_wait3A_436 = arith.constant 0 : i32
        %dma_wait3A_437 = tpu.memref_slice %arg4[%add3A_428, %dma_wait3A_435, %dma_wait3A_436] : memref<4096x50x32xf32, #tpu.memory_space<hbm>> -> memref<16x50x32xf32, #tpu.memory_space<hbm>>
        %dma_wait3A_438 = arith.constant 0 : i32
        %dma_wait3A_439 = arith.constant 0 : i32
        %dma_wait3A_440 = tpu.memref_slice %arg4[%add3A_428, %dma_wait3A_438, %dma_wait3A_439] : memref<4096x50x32xf32, #tpu.memory_space<hbm>> -> memref<16x50x32xf32, #tpu.memory_space<hbm>>
        tpu.wait_dma2 semaphore(%run_scoped3A : memref<!tpu.dma_semaphore, #tpu.memory_space<semaphore_mem>>) src(%arg6 : memref<16x50x32xf32, #tpu.memory_space<vmem>>) dst(%dma_wait3A_440 : memref<16x50x32xf32, #tpu.memory_space<hbm>>)
        tpu.yield
      }) : () -> ()
    }
    %scan3A_6 = arith.constant 8 : i32
    return
  }
}

</mosaic_0001>

<sc_bundles>
// kernel: _gather.3.cloned.1.call-start
scs
__scs_entry_jumppad:
0x0: {  	(pc) =	sbr.rel $0x88, $3  }
0x1: {  	(tag) =	ssettag $0x0;
	lr =	simm.s32 $0x1  }
0x2: {  	[smem:$0x3F9F] =	sst lr;
	_ =	strace $0xD0000000  }
0x3: {  	_ = 	snop  }
0x4: {  	_ = 	snop  }
0x5: {  	_ = 	snop  }
0x6: {  	_ = 	snop  }
0x7: {  	_ = 	snop  }
__scs_overlays_trampoline_lowered:
0x8: {  	[smem:$0x3FAE] =	sst s0  }
0x9: {  	[smem:$0x3FAF] =	sst s1  }
0xa: {  	[smem:$0x3FB0] =	sst s2  }
0xb: {  	[smem:$0x3FB1] =	sst s3  }
0xc: {  	[smem:$0x3FB2] =	sst s4  }
0xd: {  	[smem:$0x3FB3] =	sst s5  }
0xe: {  	[smem:$0x3FB4] =	sst s6  }
0xf: {  	[smem:$0x3FB5] =	sst s7  }
0x10: {  	[smem:$0x3FB6] =	sst s8  }
0x11: {  	[smem:$0x3FB7] =	sst s9;
	s0 =	simm.s32 @!p0 $0x0  }
0x12: {  	s1 =	sld [smem:$0x3F9D];
	s0 =	simm.s32 @p0 $0x1  }
0x13: {  	[smem:$0x3FB8] =	sst s0;
	s0 =	simm.s32 @!p1 $0x0  }
0x14: {  	s2 =	sld [smem:$0x3F9C];
	s0 =	simm.s32 @p1 $0x1  }
0x15: {  	[smem:$0x3FB9] =	sst s0;
	s0 =	simm.s32 @!p2 $0x0  }
0x16: {  	s3 =	sld [smem:$0x3FDB];
	s0 =	simm.s32 @p2 $0x1  }
0x17: {  	s4 =	simm.s32 $0x1BF5;
	[smem:$0x3FBB] =	sst s0  }
0x18: {  	s0 =	sld [smem:$0x3F9E];
	_ =	swait.ge [sflag:s4], $0x0  }
0x19: {  	s7 =	sld [smem:$0x3F9F]  }
0x1a: {  	s8 =	sadd.s32 $0xFFFFE003, lr  }
0x1b: {  	s9 =	sadd.s32 $0xFFFFFEF7, lr;
	s5 =	simm.s32 $0xFFFFFFFF;
	p2 =	slt.u32 s8, $0xFFFFF086  }
0x1c: {  	p1 =	slt.u32 s9, $0xF7A;
	s5 =	simm.s32 @!p2 $0x0  }
0x1d: {  	s5 =	simm.s32 @p1 $0x1;
	p0 =	seq.s32 s7, s2  }
0x1e: {  	s7 =	smul.u32 @!p0 $0xF7A, s2;
	p2 =	seq.s32 @!p0 s5, $0x0  }
0x1f: {  	s9 =	smul.u32 $0xF7A, s1;
	s8 =	simm.s32 @!p0 $0x1BF5;
	p2 =	por !p2, p0  }
0x20: {  	[sflag:s8] =	ssyncset.s32 @!p0 $0xFFFFF086;
	s6 =	sadd.s32 @!p0 s3, s7;
	s7 =	simm.s32 @!p0 $0x108  }
0x21: {  	s3 =	sadd.s32 s3, s9;
	s6 =	sadd.s32 @!p0 $0x88, s6;
	s7 =	simm.s32 @p2 $0x1082  }
0x22: {  	[simem:s7], [sflag:s8] =	dma.local @!p0 [hbm:s6], $0xF7A  }
0x23: {  	s9 =	sor.u32 $0xD0000000, s2;
	s6 =	simm.s32 $0x108;
	_ =	swait.ge @!p0 [sflag:s8], $0x0  }
0x24: {  	s3 =	sadd.s32 $0x88, s3;
	s6 =	simm.s32 @!p1 $0x1082;
	[sflag:s4] =	ssyncset.s32 $0xFFFFF086  }
0x25: {  	[simem:s6], [sflag:s4] =	dma.local [hbm:s3], $0xF7A  }
0x26: {  	[smem:$0x3F9F] =	sst s1;
	(tag) =	ssettag s2;
	_ =	strace s9  }
0x27: {  	s1 =	sld [smem:$0x3FAF]  }
0x28: {  	s2 =	sld [smem:$0x3FB0]  }
0x29: {  	s4 =	sld [smem:$0x3FB2]  }
0x2a: {  	p0 =	seq.s32 s5, $0x0;
	s5 =	sld [smem:$0x3FB3]  }
0x2b: {  	s6 =	sld [smem:$0x3FB4]  }
0x2c: {  	s7 =	sld [smem:$0x3FB5]  }
0x2d: {  	s3 =	simm.s32 $0x108;
	s8 =	sld [smem:$0x3FB6]  }
0x2e: {  	s3 =	simm.s32 @!p0 $0x1082;
	s9 =	sld [smem:$0x3FB7]  }
0x2f: {  	lr =	sadd.s32 s0, s3;
	s0 =	sld [smem:$0x3FAE]  }
0x30: {  	s3 =	sld [smem:$0x3FB1]  }
0x31: {  	[smem:$0x3FBA] =	sst s10  }
0x32: {  	s10 =	sld [smem:$0x3FB8];
	_ =	sdelay $0x3  }
0x33: {  	p0 =	seq.s32 s10, $0x1;
	s10 =	sld [smem:$0x3FBA];
	_ =	sdelay $0x3  }
0x34: {  	[smem:$0x3FBA] =	sst s10  }
0x35: {  	s10 =	sld [smem:$0x3FB9];
	_ =	sdelay $0x3  }
0x36: {  	p1 =	seq.s32 s10, $0x1;
	s10 =	sld [smem:$0x3FBA];
	_ =	sdelay $0x3  }
0x37: {  	[smem:$0x3FBA] =	sst s10  }
0x38: {  	s10 =	sld [smem:$0x3FBB]  }
0x39: {  	_ = 	snop;
	(pc) =	sbr.ind lr, $3  }
0x3a: {  	_ = 	snop  }
0x3b: {  	_ = 	snop  }
0x3c: {  	p2 =	seq.s32 s10, $0x1;
	s10 =	sld [smem:$0x3FBA]  }
0x3d: {  	_ =	shalt  }
0x3e: {  	_ =	shalt  }
0x3f: {  	_ =	shalt  }
0x40: {  	_ =	shalt  }
0x41: {  	_ =	shalt  }
0x42: {  	_ =	shalt  }
0x43: {  	_ =	shalt  }
0x44: {  	_ =	shalt  }
0x45: {  	_ =	shalt  }
0x46: {  	_ =	shalt  }
0x47: {  	_ =	shalt  }
0x48: {  	_ =	shalt  }
0x49: {  	_ =	shalt  }
0x4a: {  	_ =	shalt  }
0x4b: {  	_ =	shalt  }
0x4c: {  	_ =	shalt  }
0x4d: {  	_ =	shalt  }
0x4e: {  	_ =	shalt  }
0x4f: {  	_ =	shalt  }
0x50: {  	_ =	shalt  }
0x51: {  	_ =	shalt  }
0x52: {  	_ =	shalt  }
0x53: {  	_ =	shalt  }
0x54: {  	_ =	shalt  }
0x55: {  	_ =	shalt  }
0x56: {  	_ =	shalt  }
0x57: {  	_ =	shalt  }
0x58: {  	_ =	shalt  }
0x59: {  	_ =	shalt  }
0x5a: {  	_ =	shalt  }
0x5b: {  	_ =	shalt  }
0x5c: {  	_ =	shalt  }
0x5d: {  	_ =	shalt  }
0x5e: {  	_ =	shalt  }
0x5f: {  	_ =	shalt  }
0x60: {  	_ =	shalt  }
0x61: {  	_ =	shalt  }
0x62: {  	_ =	shalt  }
0x63: {  	_ =	shalt  }
0x64: {  	_ =	shalt  }
0x65: {  	_ =	shalt  }
0x66: {  	_ =	shalt  }
0x67: {  	_ =	shalt  }
0x68: {  	_ =	shalt  }
0x69: {  	_ =	shalt  }
0x6a: {  	_ =	shalt  }
0x6b: {  	_ =	shalt  }
0x6c: {  	_ =	shalt  }
0x6d: {  	_ =	shalt  }
0x6e: {  	_ =	shalt  }
0x6f: {  	_ =	shalt  }
0x70: {  	_ =	shalt  }
0x71: {  	_ =	shalt  }
0x72: {  	_ =	shalt  }
0x73: {  	_ =	shalt  }
0x74: {  	_ =	shalt  }
0x75: {  	_ =	shalt  }
0x76: {  	_ =	shalt  }
0x77: {  	_ =	shalt  }
0x78: {  	_ =	shalt  }
0x79: {  	_ =	shalt  }
0x7a: {  	_ =	shalt  }
0x7b: {  	_ =	shalt  }
0x7c: {  	_ =	shalt  }
0x7d: {  	_ =	shalt  }
0x7e: {  	_ =	shalt  }
0x7f: {  	_ =	shalt  }
0x80: {  	_ =	shalt  }
0x81: {  	_ =	shalt  }
0x82: {  	_ =	shalt  }
0x83: {  	_ =	shalt  }
0x84: {  	_ =	shalt  }
0x85: {  	_ =	shalt  }
0x86: {  	_ =	shalt  }
0x87: {  	_ =	shalt  }
.Lfunc_end0:
.L_simem_size_0:
called_computation_lowered:
.L_overlay_start_0:
0x88: {  	s2 =	sld [smem:$0x3FD9]  }
0x89: {  	s3 =	sld [smem:$0x3FFE];
	_ =	sdelay $0x1  }
0x8a: {  	s1 =	srdreg.scid  }
0x8b: {  	s0 =	sand.u32 $0x1, s1  }
0x8c: {  	s17 =	sshll.u32 s0, $0xA;
	s2 =	sadd.s32 s3, s2  }
0x8d: {  	s2 =	sadd.s32 s2, s17  }
0x8e: {  	[smem:$0x3FC6] =	sst s2  }
0x8f: {  	_ = 	snop  }
0x90: {  	s2 =	sld [smem:$0x3FD0];
	(tm) =	ssettm $0x1  }
0x91: {  	s18 =	sld [smem:$0x3FFB];
	_ =	sdelay $0x3  }
0x92: {  	_ =	strace s18  }
0x93: {  	s3 =	sld [smem:$0x3FFC];
	_ =	sdelay $0x3  }
0x94: {  	_ =	strace s3  }
0x95: {  	s3 =	sld [smem:$0x3FFD];
	_ =	sdelay $0x3  }
0x96: {  	_ =	strace s3  }
0x97: {  	_ =	strace $0x8FFFFFFF  }
0x98: {  	s19 =	sld [smem:$0x3FDB];
	_ =	sdelay $0x1  }
0x99: {  	s4 =	simm.s32 $_scs_section_size  }
0x9a: {  	s5 =	simm.s32 $_size__tile_overlayer_lowered;
	s6 =	simm.s32 $_tile_overlayer_lowered  }
0x9b: {  	s22 =	simm.s32 $0x1BFF;
	s21 =	sshll.u32 s6, $0x1;
	s3 =	sadd.s32 s4, s19  }
0x9c: {  	s7 =	simm.s32 $0x0;
	s20 =	sshll.u32 s5, $0x1;
	s5 =	sadd.s32 s21, s3  }
0x9d: {  	[timem:s7], [sflag:s22] =	dma.local [hbm:s5], s20  }
0x9e: {  	_ =	swait.ge [sflag:s22], s20  }
0x9f: {  	s4 =	ssub.s32 $0x0, s20;
	[sflag:s22] =	ssyncset.done $0x0  }
0xa0: {  	[sflag:s22] =	ssyncadd.s32 s4;
	_ =	sdelay $0x1  }
0xa1: {  	s23 =	simm.s32 $0x1B8B  }
0xa2: {  	_ =	swait.ge [sflag:s23], $0x1  }
0xa3: {  	[sflag:s23] =	ssyncset.done $0x0  }
0xa4: {  	s25 =	simm.s32 $0x1B8E;
	s24 =	sld [smem:$0x3FFE];
	[sflag:s23] =	ssyncadd.s32 $0xFFFFFFFF  }
0xa5: {  	s26 =	simm.s32 $execute0_lowered;
	[smem:$0x3FD2] =	sst s25  }
0xa6: {  	s5 =	sshll.u32 s26, $0x1;
	_ =	strace $0x80000046;
	[dreg:$0x1] =	wrdreg $0xFFFFFFFF  }
0xa7: {  	s28 =	simm.s32 $_size_execute0_lowered;
	s3 =	sadd.s32 s3, s5;
	[dreg:$0x0] =	wrdreg $0x0  }
0xa8: {  	s5 =	sshll.u32 s28, $0x1;
	[dreg:$0x2] =	wrdreg s3  }
0xa9: {  	[dreg:$0x3] =	wrdreg s5  }
0xaa: {  	[dreg:$0x4] =	wrdreg $0xC0  }
0xab: {  	_ =	task [dreg:s7], $0x5FFFF  }
0xac: {  	[dreg:$0x1] =	wrdreg $0xFFFFFFFF  }
0xad: {  	[dreg:$0x0] =	wrdreg $0x60  }
0xae: {  	[dreg:$0x2] =	wrdreg s24  }
0xaf: {  	[dreg:$0x3] =	wrdreg s2  }
0xb0: {  	[dreg:$0x4] =	wrdreg $0x9  }
0xb1: {  	_ =	task.clear_ibuf [dreg:s7], $0x5FFFF;
	_ =	strace $0x90000046  }
0xb2: {  	s29 =	simm.s32 $0x9;
	_ =	strace $0x80000048  }
0xb3: {  	_ =	swait.ge [sflag:s29], $0x1  }
0xb4: {  	[sflag:s29] =	ssyncadd.s32 $0xFFFFFFFF  }
0xb5: {  	_ =	strace $0x90000048  }
0xb6: {  	_ =	sfence  }
0xb7: {  	s30 =	sld [smem:$0x0];
	_ =	sdelay $0x2  }
0xb8: {  	s31 =	sshll.u32 s1, $0xD;
	s1 =	sshrl.u32 s1, $0x2  }
0xb9: {  	s3 =	sand.u32 $0x4000, s31;
	s1 =	sadd.s32 s1, s30  }
0xba: {  	s0 =	sor.u32 s3, s0;
	s1 =	sshll.u32 s1, $0x11  }
0xbb: {  	s0 =	sor.u32 s1, s0  }
0xbc: {  	s0 =	sadd.s32 $0x8F2B, s0  }
0xbd: {  	[sflag:s0] =	ssyncadd.remote.s32 $0x1  }
0xbe: {  	_ =	sfence.sel $0xFFFF  }
0xbf: {  	[dreg:$0x0] =	wrdreg $0xFFFFFFFF;
	(pc) =	sbr.abs _section_cstart, $3  }
0xc0: {  	[dreg:$0x1] =	wrdreg $0xFFFFFFFF  }
0xc1: {  	_ =	task.clear_ibuf [dreg:s7], $0x2FFFF;
	_ =	strace $0x9FFFFFFF  }
0xc2: {  	(tm) =	ssettm $0x7FFFFFFF  }
0xc3: {  	_ =	shalt  }
tec
execute0_lowered:
.L_overlay_start_1:
0x0: {  	(tag) =	ssettag $0x1  }
0x1: {  	s1 =	srdreg.scid  }
0x2: {  	s3 =	rddreg [dreg:$0x0];
	s0 =	stileid.u32  }
0x3: {  	s7 =	rddreg [dreg:$0x1];
	s2 =	simm.s32 $0x0;
	s25 =	simm.s32 $0x2240  }
0x4: {  	s26 =	simm.s32 $0x2880;
	s28 =	simm.s32 $0x2EC0;
	s29 =	simm.s32 $0x3500  }
0x5: {  	s30 =	simm.s32 $0x3B40;
	s31 =	simm.s32 $0x4180;
	s10 =	simm.s32 $0x47C0  }
0x6: {  	s11 =	simm.s32 $0x5440;
	s6 =	sand.u32 $0x1, s1;
	s1 =	rddreg [dreg:$0x2]  }
0x7: {  	s12 =	simm.s32 $0x5A80;
	s13 =	simm.s32 $0x60C0;
	[smem:$0x7FF] =	sst s2  }
0x8: {  	s14 =	simm.s32 $0x6700;
	_ =	strace $0x80000047;
	[dreg:$0x3] =	wrdreg s25  }
0x9: {  	s15 =	simm.s32 $0x6D40;
	s16 =	simm.s32 $0x7380;
	[dreg:$0x4] =	wrdreg s26  }
0xa: {  	s17 =	simm.s32 $0x79C0;
	s18 =	simm.s32 $0x1;
	[dreg:$0x5] =	wrdreg s28  }
0xb: {  	s19 =	simm.s32 $0x0;
	s4 =	sshll.u32 s0, $0x8;
	[dreg:$0x6] =	wrdreg s29  }
0xc: {  	s9 =	smul.u32 $0xC800, s0;
	s5 =	sshll.u32 s6, $0x7;
	[dreg:$0x7] =	wrdreg s30  }
0xd: {  	s24 =	ssub.s32 $0x2, s6;
	s6 =	smul.u32 $0x6400, s6;
	[dreg:$0x8] =	wrdreg s31  }
0xe: {  	[dreg:$0x9] =	wrdreg s10;
	s10 =	simm.s32 $0x4E00;
	s4 =	sor.u32 s5, s4  }
0xf: {  	s8 =	sshrl.u32 s24, $0x1;
	s7 =	sadd.s32 s9, s7;
	s4 =	smul.u32 $0x7, s4  }
0x10: {  	s9 =	simm.s32 $0x1C00;
	s5 =	ssub.s32 s24, s8;
	s6 =	sadd.s32 s6, s7  }
0x11: {  	s7 =	simm.s32 $0x2;
	s8 =	simm.s32 $0x32;
	s4 =	sadd.s32 s4, s3  }
0x12: {  	s5 =	smax.u32 s5, $0x1;
	s3 =	sadd.s32 $0xF42C00, s3;
	s4 =	sadd.s32 $0x600, s4  }
.LBB2_1:
0x13: {  	[tilespmem:s2], [sflag:$0x2] =	stream.linear.gather [hbm4b:s4+s2], $0x1C00, $0x38;
	[tilespmem:$0x8000] =	vst v63  }
0x14: {  	_ =	swait.ge [sflag:s7], $0x1C00  }
0x15: {  	[sflag:s7] =	ssyncset.done $0x0  }
0x16: {  	s20 =	simm.s32 $0x0;
	[sflag:s7] =	ssyncadd.s32 $0xFFFFE400  }
0x17: {  	[tilespmem:s9], [sflag:$0x1] =	stream.indirect.gather [hbm4b:s3+s8], $0x20, s20, s8, $0xb8;
	[tilespmem:$0x8000] =	vst v63  }
0x18: {  	s29 =	simm.s32 $0x38;
	s21 =	rddreg [dreg:$0x3]  }
0x19: {  	[tilespmem:s21], [sflag:$0x1] =	stream.indirect.gather [hbm4b:s3+s8], $0x20, s29, s8, $0xb8;
	[tilespmem:$0x8000] =	vst v63  }
0x1a: {  	s31 =	simm.s32 $0x70;
	s22 =	rddreg [dreg:$0x4]  }
0x1b: {  	[tilespmem:s22], [sflag:$0x1] =	stream.indirect.gather [hbm4b:s3+s8], $0x20, s31, s8, $0xb8;
	[tilespmem:$0x8000] =	vst v63  }
0x1c: {  	s23 =	simm.s32 $0xA8;
	s30 =	rddreg [dreg:$0x5]  }
0x1d: {  	[tilespmem:s30], [sflag:$0x1] =	stream.indirect.gather [hbm4b:s3+s8], $0x20, s23, s8, $0xb8;
	[tilespmem:$0x8000] =	vst v63  }
0x1e: {  	s26 =	simm.s32 $0xE0;
	s24 =	rddreg [dreg:$0x6]  }
0x1f: {  	[tilespmem:s24], [sflag:$0x1] =	stream.indirect.gather [hbm4b:s3+s8], $0x20, s26, s8, $0xb8;
	[tilespmem:$0x8000] =	vst v63  }
0x20: {  	s28 =	simm.s32 $0x118;
	s25 =	rddreg [dreg:$0x7]  }
0x21: {  	[tilespmem:s25], [sflag:$0x1] =	stream.indirect.gather [hbm4b:s3+s8], $0x20, s28, s8, $0xb8;
	[tilespmem:$0x8000] =	vst v63  }
0x22: {  	s29 =	rddreg [dreg:$0x8];
	s30 =	simm.s32 $0x150  }
0x23: {  	[tilespmem:s29], [sflag:$0x1] =	stream.indirect.gather [hbm4b:s3+s8], $0x20, s30, s8, $0xb8;
	[tilespmem:$0x8000] =	vst v63  }
0x24: {  	s31 =	rddreg [dreg:$0x9];
	s22 =	simm.s32 $0x188  }
0x25: {  	[tilespmem:s31], [sflag:$0x1] =	stream.indirect.gather [hbm4b:s3+s8], $0x20, s22, s8, $0xb8;
	[tilespmem:$0x8000] =	vst v63  }
0x26: {  	s23 =	simm.s32 $0x1C0  }
0x27: {  	[tilespmem:s10], [sflag:$0x1] =	stream.indirect.gather [hbm4b:s3+s8], $0x20, s23, s8, $0xb8;
	[tilespmem:$0x8000] =	vst v63  }
0x28: {  	s24 =	simm.s32 $0x1F8  }
0x29: {  	[tilespmem:s11], [sflag:$0x1] =	stream.indirect.gather [hbm4b:s3+s8], $0x20, s24, s8, $0xb8;
	[tilespmem:$0x8000] =	vst v63  }
0x2a: {  	s25 =	simm.s32 $0x230  }
0x2b: {  	[tilespmem:s12], [sflag:$0x1] =	stream.indirect.gather [hbm4b:s3+s8], $0x20, s25, s8, $0xb8;
	[tilespmem:$0x8000] =	vst v63  }
0x2c: {  	s26 =	simm.s32 $0x268  }
0x2d: {  	[tilespmem:s13], [sflag:$0x1] =	stream.indirect.gather [hbm4b:s3+s8], $0x20, s26, s8, $0xb8;
	[tilespmem:$0x8000] =	vst v63  }
0x2e: {  	s28 =	simm.s32 $0x2A0  }
0x2f: {  	[tilespmem:s14], [sflag:$0x1] =	stream.indirect.gather [hbm4b:s3+s8], $0x20, s28, s8, $0xb8;
	[tilespmem:$0x8000] =	vst v63  }
0x30: {  	s29 =	simm.s32 $0x2D8  }
0x31: {  	[tilespmem:s15], [sflag:$0x1] =	stream.indirect.gather [hbm4b:s3+s8], $0x20, s29, s8, $0xb8;
	[tilespmem:$0x8000] =	vst v63  }
0x32: {  	s30 =	simm.s32 $0x310  }
0x33: {  	[tilespmem:s16], [sflag:$0x1] =	stream.indirect.gather [hbm4b:s3+s8], $0x20, s30, s8, $0xb8;
	[tilespmem:$0x8000] =	vst v63  }
0x34: {  	s31 =	simm.s32 $0x348  }
0x35: {  	[tilespmem:s17], [sflag:$0x1] =	stream.indirect.gather [hbm4b:s3+s8], $0x20, s31, s8, $0xb8;
	[tilespmem:$0x8000] =	vst v63  }
0x36: {  	_ =	swait.ge [sflag:s18], $0x640  }
0x37: {  	[sflag:s18] =	ssyncset.done $0x0  }
0x38: {  	[sflag:s18] =	ssyncadd.s32 $0xFFFFF9C0  }
0x39: {  	_ =	swait.ge [sflag:s18], $0x640  }
0x3a: {  	[sflag:s18] =	ssyncset.done $0x0  }
0x3b: {  	[sflag:s18] =	ssyncadd.s32 $0xFFFFF9C0  }
0x3c: {  	_ =	swait.ge [sflag:s18], $0x640  }
0x3d: {  	[sflag:s18] =	ssyncset.done $0x0  }
0x3e: {  	[sflag:s18] =	ssyncadd.s32 $0xFFFFF9C0  }
0x3f: {  	_ =	swait.ge [sflag:s18], $0x640  }
0x40: {  	[sflag:s18] =	ssyncset.done $0x0  }
0x41: {  	[sflag:s18] =	ssyncadd.s32 $0xFFFFF9C0  }
0x42: {  	_ =	swait.ge [sflag:s18], $0x640  }
0x43: {  	[sflag:s18] =	ssyncset.done $0x0  }
0x44: {  	[sflag:s18] =	ssyncadd.s32 $0xFFFFF9C0  }
0x45: {  	_ =	swait.ge [sflag:s18], $0x640  }
0x46: {  	[sflag:s18] =	ssyncset.done $0x0  }
0x47: {  	[sflag:s18] =	ssyncadd.s32 $0xFFFFF9C0  }
0x48: {  	_ =	swait.ge [sflag:s18], $0x640  }
0x49: {  	[sflag:s18] =	ssyncset.done $0x0  }
0x4a: {  	[sflag:s18] =	ssyncadd.s32 $0xFFFFF9C0  }
0x4b: {  	_ =	swait.ge [sflag:s18], $0x640  }
0x4c: {  	[sflag:s18] =	ssyncset.done $0x0  }
0x4d: {  	[sflag:s18] =	ssyncadd.s32 $0xFFFFF9C0  }
0x4e: {  	_ =	swait.ge [sflag:s18], $0x640  }
0x4f: {  	[sflag:s18] =	ssyncset.done $0x0  }
0x50: {  	[sflag:s18] =	ssyncadd.s32 $0xFFFFF9C0  }
0x51: {  	_ =	swait.ge [sflag:s18], $0x640  }
0x52: {  	[sflag:s18] =	ssyncset.done $0x0  }
0x53: {  	[sflag:s18] =	ssyncadd.s32 $0xFFFFF9C0  }
0x54: {  	_ =	swait.ge [sflag:s18], $0x640  }
0x55: {  	[sflag:s18] =	ssyncset.done $0x0  }
0x56: {  	[sflag:s18] =	ssyncadd.s32 $0xFFFFF9C0  }
0x57: {  	_ =	swait.ge [sflag:s18], $0x640  }
0x58: {  	[sflag:s18] =	ssyncset.done $0x0  }
0x59: {  	[sflag:s18] =	ssyncadd.s32 $0xFFFFF9C0  }
0x5a: {  	_ =	swait.ge [sflag:s18], $0x640  }
0x5b: {  	[sflag:s18] =	ssyncset.done $0x0  }
0x5c: {  	[sflag:s18] =	ssyncadd.s32 $0xFFFFF9C0  }
0x5d: {  	_ =	swait.ge [sflag:s18], $0x640  }
0x5e: {  	[sflag:s18] =	ssyncset.done $0x0  }
0x5f: {  	[sflag:s18] =	ssyncadd.s32 $0xFFFFF9C0  }
0x60: {  	_ =	swait.ge [sflag:s18], $0x640  }
0x61: {  	[sflag:s18] =	ssyncset.done $0x0  }
0x62: {  	[sflag:s18] =	ssyncadd.s32 $0xFFFFF9C0  }
0x63: {  	_ =	swait.ge [sflag:s18], $0x640  }
0x64: {  	[sflag:s18] =	ssyncset.done $0x0  }
0x65: {  	s20 =	sadd.s32 $0xC80, s6;
	[sflag:s18] =	ssyncadd.s32 $0xFFFFF9C0  }
0x66: {  	[hbm4b:s6+s2] =	stream.linear.scatter [tilespmem:s9], [sflag:$0x2], $0x6400, $0x38;
	[tilespmem:$0x8000] =	vst v63  }
0x67: {  	s21 =	simm.s32 $0xE00;
	s22 =	simm.s32 $0x1C00;
	_ =	swait.ge [sflag:s7], $0x6400  }
.LBB2_2:
0x68: {  	[sflag:s7] =	ssyncset.done $0x0  }
0x69: {  	s23 =	sshra.s32 s21, $0x2;
	[sflag:s7] =	ssyncadd.s32 $0xFFFF9C00  }
0x6a: {  	[tilespmem:s9], [sflag:$0x1] =	stream.indirect.gather [hbm4b:s3+s8], $0x20, s23, s8, $0xb8;
	[tilespmem:$0x8000] =	vst v63  }
0x6b: {  	s24 =	rddreg [dreg:$0x3];
	s25 =	sadd.s32 $0x38, s23  }
0x6c: {  	[tilespmem:s24], [sflag:$0x1] =	stream.indirect.gather [hbm4b:s3+s8], $0x20, s25, s8, $0xb8;
	[tilespmem:$0x8000] =	vst v63  }
0x6d: {  	s28 =	rddreg [dreg:$0x4];
	s30 =	sadd.s32 $0x70, s23  }
0x6e: {  	[tilespmem:s28], [sflag:$0x1] =	stream.indirect.gather [hbm4b:s3+s8], $0x20, s30, s8, $0xb8;
	[tilespmem:$0x8000] =	vst v63  }
0x6f: {  	s26 =	rddreg [dreg:$0x5];
	s31 =	sadd.s32 $0xA8, s23  }
0x70: {  	[tilespmem:s26], [sflag:$0x1] =	stream.indirect.gather [hbm4b:s3+s8], $0x20, s31, s8, $0xb8;
	[tilespmem:$0x8000] =	vst v63  }
0x71: {  	s24 =	sadd.s32 $0xE0, s23;
	s30 =	rddreg [dreg:$0x6]  }
0x72: {  	[tilespmem:s30], [sflag:$0x1] =	stream.indirect.gather [hbm4b:s3+s8], $0x20, s24, s8, $0xb8;
	[tilespmem:$0x8000] =	vst v63  }
0x73: {  	s29 =	rddreg [dreg:$0x7];
	s31 =	sadd.s32 $0x118, s23  }
0x74: {  	[tilespmem:s29], [sflag:$0x1] =	stream.indirect.gather [hbm4b:s3+s8], $0x20, s31, s8, $0xb8;
	[tilespmem:$0x8000] =	vst v63  }
0x75: {  	s26 =	rddreg [dreg:$0x8];
	s30 =	sadd.s32 $0x150, s23  }
0x76: {  	[tilespmem:s26], [sflag:$0x1] =	stream.indirect.gather [hbm4b:s3+s8], $0x20, s30, s8, $0xb8;
	[tilespmem:$0x8000] =	vst v63  }
0x77: {  	s31 =	sadd.s32 $0x188, s23;
	s29 =	rddreg [dreg:$0x9]  }
0x78: {  	[tilespmem:s29], [sflag:$0x1] =	stream.indirect.gather [hbm4b:s3+s8], $0x20, s31, s8, $0xb8;
	[tilespmem:$0x8000] =	vst v63  }
0x79: {  	s30 =	sadd.s32 $0x1C0, s23  }
0x7a: {  	[tilespmem:s10], [sflag:$0x1] =	stream.indirect.gather [hbm4b:s3+s8], $0x20, s30, s8, $0xb8;
	[tilespmem:$0x8000] =	vst v63  }
0x7b: {  	s31 =	sadd.s32 $0x1F8, s23  }
0x7c: {  	[tilespmem:s11], [sflag:$0x1] =	stream.indirect.gather [hbm4b:s3+s8], $0x20, s31, s8, $0xb8;
	[tilespmem:$0x8000] =	vst v63  }
0x7d: {  	s26 =	sadd.s32 $0x230, s23  }
0x7e: {  	[tilespmem:s12], [sflag:$0x1] =	stream.indirect.gather [hbm4b:s3+s8], $0x20, s26, s8, $0xb8;
	[tilespmem:$0x8000] =	vst v63  }
0x7f: {  	s28 =	sadd.s32 $0x268, s23  }
0x80: {  	[tilespmem:s13], [sflag:$0x1] =	stream.indirect.gather [hbm4b:s3+s8], $0x20, s28, s8, $0xb8;
	[tilespmem:$0x8000] =	vst v63  }
0x81: {  	s29 =	sadd.s32 $0x2A0, s23  }
0x82: {  	[tilespmem:s14], [sflag:$0x1] =	stream.indirect.gather [hbm4b:s3+s8], $0x20, s29, s8, $0xb8;
	[tilespmem:$0x8000] =	vst v63  }
0x83: {  	s30 =	sadd.s32 $0x2D8, s23  }
0x84: {  	[tilespmem:s15], [sflag:$0x1] =	stream.indirect.gather [hbm4b:s3+s8], $0x20, s30, s8, $0xb8;
	[tilespmem:$0x8000] =	vst v63  }
0x85: {  	s31 =	sadd.s32 $0x310, s23  }
0x86: {  	[tilespmem:s16], [sflag:$0x1] =	stream.indirect.gather [hbm4b:s3+s8], $0x20, s31, s8, $0xb8;
	[tilespmem:$0x8000] =	vst v63  }
0x87: {  	s23 =	sadd.s32 $0x348, s23  }
0x88: {  	[tilespmem:s17], [sflag:$0x1] =	stream.indirect.gather [hbm4b:s3+s8], $0x20, s23, s8, $0xb8;
	[tilespmem:$0x8000] =	vst v63  }
0x89: {  	_ =	swait.ge [sflag:s18], $0x640  }
0x8a: {  	[sflag:s18] =	ssyncset.done $0x0  }
0x8b: {  	[sflag:s18] =	ssyncadd.s32 $0xFFFFF9C0  }
0x8c: {  	_ =	swait.ge [sflag:s18], $0x640  }
0x8d: {  	[sflag:s18] =	ssyncset.done $0x0  }
0x8e: {  	[sflag:s18] =	ssyncadd.s32 $0xFFFFF9C0  }
0x8f: {  	_ =	swait.ge [sflag:s18], $0x640  }
0x90: {  	[sflag:s18] =	ssyncset.done $0x0  }
0x91: {  	[sflag:s18] =	ssyncadd.s32 $0xFFFFF9C0  }
0x92: {  	_ =	swait.ge [sflag:s18], $0x640  }
0x93: {  	[sflag:s18] =	ssyncset.done $0x0  }
0x94: {  	[sflag:s18] =	ssyncadd.s32 $0xFFFFF9C0  }
0x95: {  	_ =	swait.ge [sflag:s18], $0x640  }
0x96: {  	[sflag:s18] =	ssyncset.done $0x0  }
0x97: {  	[sflag:s18] =	ssyncadd.s32 $0xFFFFF9C0  }
0x98: {  	_ =	swait.ge [sflag:s18], $0x640  }
0x99: {  	[sflag:s18] =	ssyncset.done $0x0  }
0x9a: {  	[sflag:s18] =	ssyncadd.s32 $0xFFFFF9C0  }
0x9b: {  	_ =	swait.ge [sflag:s18], $0x640  }
0x9c: {  	[sflag:s18] =	ssyncset.done $0x0  }
0x9d: {  	[sflag:s18] =	ssyncadd.s32 $0xFFFFF9C0  }
0x9e: {  	_ =	swait.ge [sflag:s18], $0x640  }
0x9f: {  	[sflag:s18] =	ssyncset.done $0x0  }
0xa0: {  	[sflag:s18] =	ssyncadd.s32 $0xFFFFF9C0  }
0xa1: {  	_ =	swait.ge [sflag:s18], $0x640  }
0xa2: {  	[sflag:s18] =	ssyncset.done $0x0  }
0xa3: {  	[sflag:s18] =	ssyncadd.s32 $0xFFFFF9C0  }
0xa4: {  	_ =	swait.ge [sflag:s18], $0x640  }
0xa5: {  	[sflag:s18] =	ssyncset.done $0x0  }
0xa6: {  	[sflag:s18] =	ssyncadd.s32 $0xFFFFF9C0  }
0xa7: {  	_ =	swait.ge [sflag:s18], $0x640  }
0xa8: {  	[sflag:s18] =	ssyncset.done $0x0  }
0xa9: {  	[sflag:s18] =	ssyncadd.s32 $0xFFFFF9C0  }
0xaa: {  	_ =	swait.ge [sflag:s18], $0x640  }
0xab: {  	[sflag:s18] =	ssyncset.done $0x0  }
0xac: {  	[sflag:s18] =	ssyncadd.s32 $0xFFFFF9C0  }
0xad: {  	_ =	swait.ge [sflag:s18], $0x640  }
0xae: {  	[sflag:s18] =	ssyncset.done $0x0  }
0xaf: {  	[sflag:s18] =	ssyncadd.s32 $0xFFFFF9C0  }
0xb0: {  	_ =	swait.ge [sflag:s18], $0x640  }
0xb1: {  	[sflag:s18] =	ssyncset.done $0x0  }
0xb2: {  	[sflag:s18] =	ssyncadd.s32 $0xFFFFF9C0  }
0xb3: {  	_ =	swait.ge [sflag:s18], $0x640  }
0xb4: {  	[sflag:s18] =	ssyncset.done $0x0  }
0xb5: {  	p0 =	sne.s32 s22, $0x6200;
	[sflag:s18] =	ssyncadd.s32 $0xFFFFF9C0  }
.Ltmp0:
0xb6: {  	_ =	swait.ge [sflag:s18], $0x640;
	(pc) =	sbr.rel @p0 .LBB2_2-.Ltmp0, $4  }
0xb7: {  	[sflag:s18] =	ssyncset.done $0x0  }
0xb8: {  	s21 =	smov.u32 s22;
	[sflag:s18] =	ssyncadd.s32 $0xFFFFF9C0  }
0xb9: {  	[hbm4b:s20+s2] =	stream.linear.scatter [tilespmem:s9], [sflag:$0x2], $0x6400, $0x38;
	[tilespmem:$0x8000] =	vst v63  }
0xba: {  	s22 =	sadd.s32 $0xE00, s22;
	s20 =	sadd.s32 $0xC80, s20;
	_ =	swait.ge [sflag:s7], $0x6400  }
0xbb: {  	[sflag:s7] =	ssyncset.done $0x0  }
0xbc: {  	s21 =	sshra.s32 s21, $0x2;
	[sflag:s7] =	ssyncadd.s32 $0xFFFF9C00  }
0xbd: {  	[tilespmem:s9], [sflag:$0x1] =	stream.indirect.gather [hbm4b:s3+s8], $0x20, s21, s8, $0xb8;
	[tilespmem:$0x8000] =	vst v63  }
0xbe: {  	s22 =	rddreg [dreg:$0x3];
	s23 =	sadd.s32 $0x38, s21  }
0xbf: {  	[tilespmem:s22], [sflag:$0x1] =	stream.indirect.gather [hbm4b:s3+s8], $0x20, s23, s8, $0xb8;
	[tilespmem:$0x8000] =	vst v63  }
0xc0: {  	s24 =	rddreg [dreg:$0x4];
	s28 =	sadd.s32 $0x70, s21  }
0xc1: {  	[tilespmem:s24], [sflag:$0x1] =	stream.indirect.gather [hbm4b:s3+s8], $0x20, s28, s8, $0xb8;
	[tilespmem:$0x8000] =	vst v63  }
0xc2: {  	s26 =	rddreg [dreg:$0x5];
	s29 =	sadd.s32 $0xA8, s21  }
0xc3: {  	[tilespmem:s26], [sflag:$0x1] =	stream.indirect.gather [hbm4b:s3+s8], $0x20, s29, s8, $0xb8;
	[tilespmem:$0x8000] =	vst v63  }
0xc4: {  	s30 =	rddreg [dreg:$0x6];
	s25 =	sadd.s32 $0xE0, s21  }
0xc5: {  	[tilespmem:s30], [sflag:$0x1] =	stream.indirect.gather [hbm4b:s3+s8], $0x20, s25, s8, $0xb8;
	[tilespmem:$0x8000] =	vst v63  }
0xc6: {  	s31 =	rddreg [dreg:$0x7];
	s26 =	sadd.s32 $0x118, s21  }
0xc7: {  	[tilespmem:s31], [sflag:$0x1] =	stream.indirect.gather [hbm4b:s3+s8], $0x20, s26, s8, $0xb8;
	[tilespmem:$0x8000] =	vst v63  }
0xc8: {  	s28 =	rddreg [dreg:$0x8];
	s29 =	sadd.s32 $0x150, s21  }
0xc9: {  	[tilespmem:s28], [sflag:$0x1] =	stream.indirect.gather [hbm4b:s3+s8], $0x20, s29, s8, $0xb8;
	[tilespmem:$0x8000] =	vst v63  }
0xca: {  	s30 =	rddreg [dreg:$0x9];
	s31 =	sadd.s32 $0x188, s21  }
0xcb: {  	[tilespmem:s30], [sflag:$0x1] =	stream.indirect.gather [hbm4b:s3+s8], $0x20, s31, s8, $0xb8;
	[tilespmem:$0x8000] =	vst v63  }
0xcc: {  	s24 =	sadd.s32 $0x1C0, s21  }
0xcd: {  	[tilespmem:s10], [sflag:$0x1] =	stream.indirect.gather [hbm4b:s3+s8], $0x20, s24, s8, $0xb8;
	[tilespmem:$0x8000] =	vst v63  }
0xce: {  	s25 =	sadd.s32 $0x1F8, s21  }
0xcf: {  	[tilespmem:s11], [sflag:$0x1] =	stream.indirect.gather [hbm4b:s3+s8], $0x20, s25, s8, $0xb8;
	[tilespmem:$0x8000] =	vst v63  }
0xd0: {  	s26 =	sadd.s32 $0x230, s21  }
0xd1: {  	[tilespmem:s12], [sflag:$0x1] =	stream.indirect.gather [hbm4b:s3+s8], $0x20, s26, s8, $0xb8;
	[tilespmem:$0x8000] =	vst v63  }
0xd2: {  	s28 =	sadd.s32 $0x268, s21  }
0xd3: {  	[tilespmem:s13], [sflag:$0x1] =	stream.indirect.gather [hbm4b:s3+s8], $0x20, s28, s8, $0xb8;
	[tilespmem:$0x8000] =	vst v63  }
0xd4: {  	s29 =	sadd.s32 $0x2A0, s21  }
0xd5: {  	[tilespmem:s14], [sflag:$0x1] =	stream.indirect.gather [hbm4b:s3+s8], $0x20, s29, s8, $0xb8;
	[tilespmem:$0x8000] =	vst v63  }
0xd6: {  	s30 =	sadd.s32 $0x2D8, s21  }
0xd7: {  	[tilespmem:s15], [sflag:$0x1] =	stream.indirect.gather [hbm4b:s3+s8], $0x20, s30, s8, $0xb8;
	[tilespmem:$0x8000] =	vst v63  }
0xd8: {  	s31 =	sadd.s32 $0x310, s21  }
0xd9: {  	[tilespmem:s16], [sflag:$0x1] =	stream.indirect.gather [hbm4b:s3+s8], $0x20, s31, s8, $0xb8;
	[tilespmem:$0x8000] =	vst v63  }
0xda: {  	s21 =	sadd.s32 $0x348, s21  }
0xdb: {  	[tilespmem:s17], [sflag:$0x1] =	stream.indirect.gather [hbm4b:s3+s8], $0x20, s21, s8, $0xb8;
	[tilespmem:$0x8000] =	vst v63  }
0xdc: {  	_ =	swait.ge [sflag:s18], $0x640  }
0xdd: {  	[sflag:s18] =	ssyncset.done $0x0  }
0xde: {  	[sflag:s18] =	ssyncadd.s32 $0xFFFFF9C0  }
0xdf: {  	_ =	swait.ge [sflag:s18], $0x640  }
0xe0: {  	[sflag:s18] =	ssyncset.done $0x0  }
0xe1: {  	[sflag:s18] =	ssyncadd.s32 $0xFFFFF9C0  }
0xe2: {  	_ =	swait.ge [sflag:s18], $0x640  }
0xe3: {  	[sflag:s18] =	ssyncset.done $0x0  }
0xe4: {  	[sflag:s18] =	ssyncadd.s32 $0xFFFFF9C0  }
0xe5: {  	_ =	swait.ge [sflag:s18], $0x640  }
0xe6: {  	[sflag:s18] =	ssyncset.done $0x0  }
0xe7: {  	[sflag:s18] =	ssyncadd.s32 $0xFFFFF9C0  }
0xe8: {  	_ =	swait.ge [sflag:s18], $0x640  }
0xe9: {  	[sflag:s18] =	ssyncset.done $0x0  }
0xea: {  	[sflag:s18] =	ssyncadd.s32 $0xFFFFF9C0  }
0xeb: {  	_ =	swait.ge [sflag:s18], $0x640  }
0xec: {  	[sflag:s18] =	ssyncset.done $0x0  }
0xed: {  	[sflag:s18] =	ssyncadd.s32 $0xFFFFF9C0  }
0xee: {  	_ =	swait.ge [sflag:s18], $0x640  }
0xef: {  	[sflag:s18] =	ssyncset.done $0x0  }
0xf0: {  	[sflag:s18] =	ssyncadd.s32 $0xFFFFF9C0  }
0xf1: {  	_ =	swait.ge [sflag:s18], $0x640  }
0xf2: {  	[sflag:s18] =	ssyncset.done $0x0  }
0xf3: {  	[sflag:s18] =	ssyncadd.s32 $0xFFFFF9C0  }
0xf4: {  	_ =	swait.ge [sflag:s18], $0x640  }
0xf5: {  	[sflag:s18] =	ssyncset.done $0x0  }
0xf6: {  	[sflag:s18] =	ssyncadd.s32 $0xFFFFF9C0  }
0xf7: {  	_ =	swait.ge [sflag:s18], $0x640  }
0xf8: {  	[sflag:s18] =	ssyncset.done $0x0  }
0xf9: {  	[sflag:s18] =	ssyncadd.s32 $0xFFFFF9C0  }
0xfa: {  	_ =	swait.ge [sflag:s18], $0x640  }
0xfb: {  	[sflag:s18] =	ssyncset.done $0x0  }
0xfc: {  	[sflag:s18] =	ssyncadd.s32 $0xFFFFF9C0  }
0xfd: {  	_ =	swait.ge [sflag:s18], $0x640  }
0xfe: {  	[sflag:s18] =	ssyncset.done $0x0  }
0xff: {  	[sflag:s18] =	ssyncadd.s32 $0xFFFFF9C0  }
0x100: {  	_ =	swait.ge [sflag:s18], $0x640  }
0x101: {  	[sflag:s18] =	ssyncset.done $0x0  }
0x102: {  	[sflag:s18] =	ssyncadd.s32 $0xFFFFF9C0  }
0x103: {  	_ =	swait.ge [sflag:s18], $0x640  }
0x104: {  	[sflag:s18] =	ssyncset.done $0x0  }
0x105: {  	[sflag:s18] =	ssyncadd.s32 $0xFFFFF9C0  }
0x106: {  	_ =	swait.ge [sflag:s18], $0x640  }
0x107: {  	[sflag:s18] =	ssyncset.done $0x0  }
0x108: {  	[sflag:s18] =	ssyncadd.s32 $0xFFFFF9C0  }
0x109: {  	s19 =	sadd.s32 $0x1, s19;
	_ =	swait.ge [sflag:s18], $0x640  }
0x10a: {  	p0 =	sne.s32 s19, s5;
	[sflag:s18] =	ssyncset.done $0x0  }
.Ltmp1:
0x10b: {  	[sflag:s18] =	ssyncadd.s32 $0xFFFFF9C0;
	(pc) =	sbr.rel @p0 .LBB2_1-.Ltmp1, $4  }
0x10c: {  	[hbm4b:s20+s2] =	stream.linear.scatter [tilespmem:s9], [sflag:$0x2], $0x6400, $0x38;
	[tilespmem:$0x8000] =	vst v63  }
0x10d: {  	_ =	swait.ge [sflag:s7], $0x6400  }
0x10e: {  	[sflag:s7] =	ssyncset.done $0x0  }
0x10f: {  	[sflag:s7] =	ssyncadd.s32 $0xFFFF9C00  }
0x110: {  	_ =	sfence.sel $0x180000  }
0x111: {  	[bflag:$0x0] =	sbarrier.arrive $0xFFFF  }
0x112: {  	p0 =	sne.s32 s0, $0x0;
	_ =	strace $0x90000047  }
0x113: {  	s0 =	sadd.s32 @!p0 $0x100000, s1;
	[bflag:$0x2] =	sbarrier.arrive $0xFFFF  }
0x114: {  	[sflag:s0] =	ssyncadd.tile.s32 @!p0 $0x1;
	_ =	shalt  }
.Lfunc_end2:
_tile_overlayer_lowered:
.L_overlay_start_2:
0x115: {  	(tag) =	ssettag $0x2  }
0x116: {  	s0 =	rddreg [dreg:$0x0];
	s2 =	stileid.u32  }
0x117: {  	s1 =	rddreg [dreg:$0x1];
	p0 =	sne.s32 s2, $0x0  }
0x118: {  	s3 =	rddreg [dreg:$0x2];
	[bflag:$0x3] =	sbarrier.arrive $0xFFFF;
	s2 =	simm.s32 @!p0 $0x1C02  }
0x119: {  	[timem:s3], [sflag:s2] =	dma.local @!p0 [hbm:s0], s1  }
0x11a: {  	s0 =	simm.s32 @!p0 $0x2  }
0x11b: {  	_ =	swait.ge @!p0 [sflag:s0], s1  }
0x11c: {  	s1 =	ssub.s32 @!p0 $0x0, s1;
	[sflag:s0] =	ssyncset.done @!p0 $0x0  }
0x11d: {  	[sflag:s0] =	ssyncadd.s32 @!p0 s1  }
0x11e: {  	[bflag:$0x3] =	sbarrier.arrive $0xFFFF  }
0x11f: {  	_ =	shalt  }

</sc_bundles>
